<compile_context>
chip_gen: v7x
topology: tpu7x:2x2x1
jax: 0.10.2.dev20260603
libtpu: 0.0.44.dev20260713+nightly
codegen_flags: <defaults>
</compile_context>

<pallas_src>
import functools

import jax
import jax.numpy as jnp
from jax import lax
from jax.experimental import pallas as pl
from jax.experimental.pallas import tpu as pltpu
from jax.experimental.pallas import tpu_sc as plsc

VOCAB = 1_000_000
EMBED = 32
BATCH = 16384
SEQ = 200
N_TOK = BATCH * SEQ

TVF = 4
TV_ROWS = VOCAB // TVF
TBLK = 2048
TV_GRID = (TV_ROWS + TBLK - 1) // TBLK
TV_OROWS = TV_GRID * TBLK * TVF // 128


def _tv_body(t_ref, w_ref, b_ref, o_ref):
    res = (
        jnp.dot(t_ref[...], w_ref[...], preferred_element_type=jnp.float32)
        + b_ref[0]
    )
    for g in range(TBLK // 128):
        o_ref[TVF * g:TVF * (g + 1), :] = res[128 * g:128 * (g + 1), :].T


def _compute_tv(table, W, b):
    w_scaled = W.reshape(EMBED, 1) * (1.0 / SEQ)
    wd = jnp.kron(jnp.eye(TVF, dtype=jnp.float32), w_scaled)
    b_scaled = b * (1.0 / SEQ)
    tv2d = pl.pallas_call(
        _tv_body,
        grid=(TV_GRID,),
        in_specs=[
            pl.BlockSpec((TBLK, TVF * EMBED), lambda i: (i, 0)),
            pl.BlockSpec((TVF * EMBED, TVF), lambda i: (0, 0)),
            pl.BlockSpec(memory_space=pltpu.SMEM),
        ],
        out_specs=pl.BlockSpec((TBLK * TVF // 128, 128), lambda i: (i, 0)),
        out_shape=jax.ShapeDtypeStruct((TV_OROWS, 128), jnp.float32),
    )(table.reshape(TV_ROWS, TVF * EMBED), wd, b_scaled)
    return tv2d.reshape(TV_OROWS * 128)


NGRP_T = BATCH // 128
TR_GRPS = 8


def _tr_body(i_ref, o_ref):
    for g in range(TR_GRPS):
        t = i_ref[g * 128:(g + 1) * 128, :].T
        o_ref[g * SEQ:(g + 1) * SEQ, :] = (
            ((t >> 9) << 9) | ((t & 3) << 7) | ((t >> 2) & 127)
        )


def _permute_idx(idx2d):
    out = pl.pallas_call(
        _tr_body,
        grid=(NGRP_T // TR_GRPS,),
        in_specs=[pl.BlockSpec((TR_GRPS * 128, SEQ), lambda i: (i, 0))],
        out_specs=pl.BlockSpec((TR_GRPS * SEQ, 128), lambda i: (i, 0)),
        out_shape=jax.ShapeDtypeStruct((NGRP_T * SEQ, 128), jnp.int32),
    )(idx2d)
    return out.reshape(N_TOK)


NC, NS = 2, 16
NW = NC * NS
ROWS_W = BATCH // NW
CHUNK_ROWS = 128
NCHUNK = ROWS_W // CHUNK_ROWS
CHUNK_IDX = CHUNK_ROWS * SEQ
NACC = CHUNK_ROWS // 16


def _make_pool():
    mesh = plsc.VectorSubcoreMesh(
        core_axis_name="c", subcore_axis_name="s", num_cores=NC, num_subcores=NS
    )
    @functools.partial(
        pl.kernel,
        mesh=mesh,
        out_type=jax.ShapeDtypeStruct((BATCH,), jnp.float32),
        scratch_types=[
            pltpu.VMEM((CHUNK_IDX,), jnp.int32),
            pltpu.VMEM((CHUNK_IDX,), jnp.float32),
            pltpu.VMEM((CHUNK_ROWS,), jnp.float32),
            pltpu.SemaphoreType.DMA,
        ],
    )
    def pool(idx_hbm, tv_hbm, out_hbm, idx_v, g_v, o_v, sem):
        wid = lax.axis_index("s") * NC + lax.axis_index("c")
        for c in range(NCHUNK):
            base = wid * (NCHUNK * CHUNK_IDX) + c * CHUNK_IDX
            pltpu.sync_copy(idx_hbm.at[pl.ds(base, CHUNK_IDX)], idx_v)
            pltpu.async_copy(tv_hbm.at[idx_v], g_v, sem).wait()

            for j in range(NACC):
                def tok_add(t, acc, j=j):
                    return acc + g_v[pl.ds(t * CHUNK_ROWS + j * 16, 16)]
                acc = lax.fori_loop(
                    0, SEQ, tok_add, jnp.zeros((16,), jnp.float32)
                )
                o_v[pl.ds(j * 16, 16)] = 1.0 / (1.0 + jnp.exp(-acc))

            pltpu.sync_copy(
                o_v, out_hbm.at[pl.ds(wid * ROWS_W + c * CHUNK_ROWS, CHUNK_ROWS)]
            )

    return pool


_pool_kernel = _make_pool()


def kernel(inputs, table, W, b):
    tv = _compute_tv(table, W, b)
    idx = _permute_idx(inputs.astype(jnp.int32))
    out = _pool_kernel(idx, tv)
    return out.reshape(BATCH, 1)

# --- scband reference (transcript-rebuilt; emitter-appended) ---
"""Pipeline reference for scband-fast-text-8916352106980 (READ-ONLY COPY).

The authoritative reference and input builder live on the scoring server;
editing this copy changes nothing except your own understanding.
"""

import jax, jax.numpy as jnp
import numpy as np

VOCAB = 1000000
EMBED_DIM = 32
BATCH = 16384
MAX_LEN = 200
N_CLASS = 1


def setup_inputs(seed: int = 0) -> dict:
    key = jax.random.key(seed)
    k1, k2, k3, k4 = jax.random.split(key, 4)
    inputs = jax.random.randint(k1, (BATCH, MAX_LEN), 0, VOCAB, dtype=jnp.int64 if jax.config.jax_enable_x64 else jnp.int32)
    # Embedding table initialized like keras (uniform)
    table = jax.random.uniform(k2, (VOCAB, EMBED_DIM), dtype=jnp.float32, minval=-0.05, maxval=0.05)
    # Dense layer params (glorot-uniform-ish)
    limit = float(np.sqrt(6.0 / (EMBED_DIM + N_CLASS)))
    W = jax.random.uniform(k3, (EMBED_DIM, N_CLASS), dtype=jnp.float32, minval=-limit, maxval=limit)
    b = jnp.zeros((N_CLASS,), dtype=jnp.float32)
    return {"inputs": inputs, "table": table, "W": W, "b": b}


def reference(inputs, table, W, b):
    # Embedding lookup: [B, L] -> [B, L, D]
    emb = jnp.take(table, inputs, axis=0)
    # GlobalAveragePooling1D over the sequence axis
    pooled = jnp.mean(emb, axis=1)
    # Dense with sigmoid activation
    logits = pooled @ W + b
    return jax.nn.sigmoid(logits)

if __name__ == "__main__":
    import jax
    _d = setup_inputs()
    print(jax.jit(kernel)(*tuple(_d.values())))

</pallas_src>

<mosaic_0001>
#map = affine_map<(d0, d1) -> (0)>
module attributes {stable_mosaic.version = 14 : i64} {
  func.func @pool(%arg0: i32, %arg1: i32, %arg2: memref<3276800xi32, #tpu.memory_space<hbm>>, %arg3: memref<1007616xf32, #tpu.memory_space<hbm>>, %arg4: memref<16384xf32, #tpu.memory_space<hbm>>, %arg5: memref<25600xi32, #tpu.memory_space<vmem>>, %arg6: memref<25600xf32, #tpu.memory_space<vmem>>, %arg7: memref<128xf32, #tpu.memory_space<vmem>>, %arg8: memref<!tpu.dma_semaphore, #tpu.memory_space<semaphore_mem>>) attributes {dimension_semantics = [#tpu.dimension_semantics<core_parallel>, #tpu.dimension_semantics<subcore_parallel>], iteration_bounds = array<i64: 2, 16>, scalar_prefetch = 0 : i64, scratch_operands = 4 : i64, tpu.core_type = #tpu.core_type<sc_vector_subcore>, window_params = [{transform_indices = #map}, {transform_indices = #map}, {transform_indices = #map}]} {
    %mul3A = arith.constant 2 : i32
    %mul3A_0 = arith.muli %arg1, %mul3A : i32
    %add3A = arith.addi %mul3A_0, %arg0 : i32
    %mul3A_1 = arith.constant 102400 : i32
    %mul3A_2 = arith.muli %add3A, %mul3A_1 : i32
    %add3A_3 = arith.constant 0 : i32
    %add3A_4 = arith.addi %mul3A_2, %add3A_3 : i32
    "tpu.region"() ({
      %run_scoped3A = tpu.sem_alloc : memref<!tpu.dma_semaphore, #tpu.memory_space<semaphore_mem>>
      %dma_start3A_745 = tpu.memref_slice %arg2[%add3A_4] : memref<3276800xi32, #tpu.memory_space<hbm>> -> memref<25600xi32, #tpu.memory_space<hbm>>
      %dma_start3A_746 = tpu.memref_slice %arg2[%add3A_4] : memref<3276800xi32, #tpu.memory_space<hbm>> -> memref<25600xi32, #tpu.memory_space<hbm>>
      tpu.enqueue_dma source(%dma_start3A_746 : memref<25600xi32, #tpu.memory_space<hbm>>) target(%arg5 : memref<25600xi32, #tpu.memory_space<vmem>>) target_semaphore(%run_scoped3A : memref<!tpu.dma_semaphore, #tpu.memory_space<semaphore_mem>>)
      %dma_wait3A_747 = tpu.memref_slice %arg2[%add3A_4] : memref<3276800xi32, #tpu.memory_space<hbm>> -> memref<25600xi32, #tpu.memory_space<hbm>>
      %dma_wait3A_748 = tpu.memref_slice %arg2[%add3A_4] : memref<3276800xi32, #tpu.memory_space<hbm>> -> memref<25600xi32, #tpu.memory_space<hbm>>
      tpu.wait_dma2 semaphore(%run_scoped3A : memref<!tpu.dma_semaphore, #tpu.memory_space<semaphore_mem>>) src(%dma_wait3A_748 : memref<25600xi32, #tpu.memory_space<hbm>>) dst(%arg5 : memref<25600xi32, #tpu.memory_space<vmem>>)
      tpu.yield
    }) : () -> ()
    %dma_start3A = arith.constant 0 : i32
    %dma_start3A_5 = tpu.memref_slice %arg3[%dma_start3A] : memref<1007616xf32, #tpu.memory_space<hbm>> -> memref<1007616xf32, #tpu.memory_space<hbm>>
    tpu.enqueue_indirect_dma source(%dma_start3A_5 : memref<1007616xf32, #tpu.memory_space<hbm>>) target(%arg6 : memref<25600xf32, #tpu.memory_space<vmem>>) offsets(%arg5 : memref<25600xi32, #tpu.memory_space<vmem>>) semaphore(%arg8 : memref<!tpu.dma_semaphore, #tpu.memory_space<semaphore_mem>>)
    %dma_wait3A = arith.constant 0 : i32
    %dma_wait3A_6 = tpu.memref_slice %arg3[%dma_wait3A] : memref<1007616xf32, #tpu.memory_space<hbm>> -> memref<1007616xf32, #tpu.memory_space<hbm>>
    tpu.wait_indirect_dma semaphore(%arg8 : memref<!tpu.dma_semaphore, #tpu.memory_space<semaphore_mem>>) src(%dma_wait3A_6 : memref<1007616xf32, #tpu.memory_space<hbm>>) dst(%arg6 : memref<25600xf32, #tpu.memory_space<vmem>>)
    %broadcast_in_dim3A = arith.constant 0.000000e+00 : f32
    %broadcast_in_dim3A_7 = vector.broadcast %broadcast_in_dim3A : f32 to vector<16xf32>
    %scan3A = arith.constant 0 : i32
    %scan3A_8 = arith.constant 200 : i32
    %scan3A_9 = arith.addi %scan3A, %scan3A_8 : i32
    %scan3A_10 = arith.constant 1 : i32
    %scan3A_11 = scf.for %scan3A_745 = %scan3A to %scan3A_9 step %scan3A_10 iter_args(%scan3A_746 = %broadcast_in_dim3A_7) -> (vector<16xf32>)  : i32 {
      %mul3A_747 = arith.constant 128 : i32
      %mul3A_748 = arith.muli %scan3A_745, %mul3A_747 : i32
      %add3A_749 = arith.constant 0 : i32
      %add3A_750 = arith.addi %mul3A_748, %add3A_749 : i32
      %get3A = arith.index_cast %add3A_750 : i32 to index
      %get3A_751 = tpu.vector_load %arg6[%get3A] {strides = array<i32>} : memref<25600xf32, #tpu.memory_space<vmem>>, vector<16xf32>,
      %get3A_752 = vector.shape_cast %get3A_751 : vector<16xf32> to vector<16xf32>
      %add3A_753 = arith.addf %scan3A_746, %get3A_752 : vector<16xf32>
      scf.yield %add3A_753 : vector<16xf32>
    }
    %scan3A_12 = arith.constant 200 : i32
    %neg3A = arith.constant 0.000000e+00 : f32
    %neg3A_13 = vector.broadcast %neg3A : f32 to vector<16xf32>
    %neg3A_14 = arith.subf %neg3A_13, %scan3A_11 : vector<16xf32>
    %exp3A = math.exp %neg3A_14 : vector<16xf32>
    %add3A_15 = arith.constant 1.000000e+00 : f32
    %add3A_16 = vector.broadcast %add3A_15 : f32 to vector<16xf32>
    %add3A_17 = arith.addf %add3A_16, %exp3A : vector<16xf32>
    %div3A = arith.constant 1.000000e+00 : f32
    %div3A_18 = vector.broadcast %div3A : f32 to vector<16xf32>
    %div3A_19 = arith.divf %div3A_18, %add3A_17 : vector<16xf32>
    %swap3A = arith.constant 0 : index
    %swap3A_20 = tpu.vector_load %arg7[%swap3A] {strides = array<i32>} : memref<128xf32, #tpu.memory_space<vmem>>, vector<16xf32>,
    %swap3A_21 = vector.shape_cast %swap3A_20 : vector<16xf32> to vector<16xf32>
    %swap3A_22 = vector.shape_cast %div3A_19 : vector<16xf32> to vector<16xf32>
    tpu.vector_store %arg7[%swap3A], %swap3A_22 {strides = array<i32>} : memref<128xf32, #tpu.memory_space<vmem>>, vector<16xf32>,
    %broadcast_in_dim3A_23 = arith.constant 0.000000e+00 : f32
    %broadcast_in_dim3A_24 = vector.broadcast %broadcast_in_dim3A_23 : f32 to vector<16xf32>
    %scan3A_25 = arith.constant 0 : i32
    %scan3A_26 = arith.constant 200 : i32
    %scan3A_27 = arith.addi %scan3A_25, %scan3A_26 : i32
    %scan3A_28 = arith.constant 1 : i32
    %scan3A_29 = scf.for %scan3A_745 = %scan3A_25 to %scan3A_27 step %scan3A_28 iter_args(%scan3A_746 = %broadcast_in_dim3A_24) -> (vector<16xf32>)  : i32 {
      %mul3A_747 = arith.constant 128 : i32
      %mul3A_748 = arith.muli %scan3A_745, %mul3A_747 : i32
      %add3A_749 = arith.constant 16 : i32
      %add3A_750 = arith.addi %mul3A_748, %add3A_749 : i32
      %get3A = arith.index_cast %add3A_750 : i32 to index
      %get3A_751 = tpu.vector_load %arg6[%get3A] {strides = array<i32>} : memref<25600xf32, #tpu.memory_space<vmem>>, vector<16xf32>,
      %get3A_752 = vector.shape_cast %get3A_751 : vector<16xf32> to vector<16xf32>
      %add3A_753 = arith.addf %scan3A_746, %get3A_752 : vector<16xf32>
      scf.yield %add3A_753 : vector<16xf32>
    }
    %scan3A_30 = arith.constant 200 : i32
    %neg3A_31 = arith.constant 0.000000e+00 : f32
    %neg3A_32 = vector.broadcast %neg3A_31 : f32 to vector<16xf32>
    %neg3A_33 = arith.subf %neg3A_32, %scan3A_29 : vector<16xf32>
    %exp3A_34 = math.exp %neg3A_33 : vector<16xf32>
    %add3A_35 = arith.constant 1.000000e+00 : f32
    %add3A_36 = vector.broadcast %add3A_35 : f32 to vector<16xf32>
    %add3A_37 = arith.addf %add3A_36, %exp3A_34 : vector<16xf32>
    %div3A_38 = arith.constant 1.000000e+00 : f32
    %div3A_39 = vector.broadcast %div3A_38 : f32 to vector<16xf32>
    %div3A_40 = arith.divf %div3A_39, %add3A_37 : vector<16xf32>
    %swap3A_41 = arith.constant 16 : index
    %swap3A_42 = tpu.vector_load %arg7[%swap3A_41] {strides = array<i32>} : memref<128xf32, #tpu.memory_space<vmem>>, vector<16xf32>,
    %swap3A_43 = vector.shape_cast %swap3A_42 : vector<16xf32> to vector<16xf32>
    %swap3A_44 = vector.shape_cast %div3A_40 : vector<16xf32> to vector<16xf32>
    tpu.vector_store %arg7[%swap3A_41], %swap3A_44 {strides = array<i32>} : memref<128xf32, #tpu.memory_space<vmem>>, vector<16xf32>,
    %broadcast_in_dim3A_45 = arith.constant 0.000000e+00 : f32
    %broadcast_in_dim3A_46 = vector.broadcast %broadcast_in_dim3A_45 : f32 to vector<16xf32>
    %scan3A_47 = arith.constant 0 : i32
    %scan3A_48 = arith.constant 200 : i32
    %scan3A_49 = arith.addi %scan3A_47, %scan3A_48 : i32
    %scan3A_50 = arith.constant 1 : i32
    %scan3A_51 = scf.for %scan3A_745 = %scan3A_47 to %scan3A_49 step %scan3A_50 iter_args(%scan3A_746 = %broadcast_in_dim3A_46) -> (vector<16xf32>)  : i32 {
      %mul3A_747 = arith.constant 128 : i32
      %mul3A_748 = arith.muli %scan3A_745, %mul3A_747 : i32
      %add3A_749 = arith.constant 32 : i32
      %add3A_750 = arith.addi %mul3A_748, %add3A_749 : i32
      %get3A = arith.index_cast %add3A_750 : i32 to index
      %get3A_751 = tpu.vector_load %arg6[%get3A] {strides = array<i32>} : memref<25600xf32, #tpu.memory_space<vmem>>, vector<16xf32>,
      %get3A_752 = vector.shape_cast %get3A_751 : vector<16xf32> to vector<16xf32>
      %add3A_753 = arith.addf %scan3A_746, %get3A_752 : vector<16xf32>
      scf.yield %add3A_753 : vector<16xf32>
    }
    %scan3A_52 = arith.constant 200 : i32
    %neg3A_53 = arith.constant 0.000000e+00 : f32
    %neg3A_54 = vector.broadcast %neg3A_53 : f32 to vector<16xf32>
    %neg3A_55 = arith.subf %neg3A_54, %scan3A_51 : vector<16xf32>
    %exp3A_56 = math.exp %neg3A_55 : vector<16xf32>
    %add3A_57 = arith.constant 1.000000e+00 : f32
    %add3A_58 = vector.broadcast %add3A_57 : f32 to vector<16xf32>
    %add3A_59 = arith.addf %add3A_58, %exp3A_56 : vector<16xf32>
    %div3A_60 = arith.constant 1.000000e+00 : f32
    %div3A_61 = vector.broadcast %div3A_60 : f32 to vector<16xf32>
    %div3A_62 = arith.divf %div3A_61, %add3A_59 : vector<16xf32>
    %swap3A_63 = arith.constant 32 : index
    %swap3A_64 = tpu.vector_load %arg7[%swap3A_63] {strides = array<i32>} : memref<128xf32, #tpu.memory_space<vmem>>, vector<16xf32>,
    %swap3A_65 = vector.shape_cast %swap3A_64 : vector<16xf32> to vector<16xf32>
    %swap3A_66 = vector.shape_cast %div3A_62 : vector<16xf32> to vector<16xf32>
    tpu.vector_store %arg7[%swap3A_63], %swap3A_66 {strides = array<i32>} : memref<128xf32, #tpu.memory_space<vmem>>, vector<16xf32>,
    %broadcast_in_dim3A_67 = arith.constant 0.000000e+00 : f32
    %broadcast_in_dim3A_68 = vector.broadcast %broadcast_in_dim3A_67 : f32 to vector<16xf32>
    %scan3A_69 = arith.constant 0 : i32
    %scan3A_70 = arith.constant 200 : i32
    %scan3A_71 = arith.addi %scan3A_69, %scan3A_70 : i32
    %scan3A_72 = arith.constant 1 : i32
    %scan3A_73 = scf.for %scan3A_745 = %scan3A_69 to %scan3A_71 step %scan3A_72 iter_args(%scan3A_746 = %broadcast_in_dim3A_68) -> (vector<16xf32>)  : i32 {
      %mul3A_747 = arith.constant 128 : i32
      %mul3A_748 = arith.muli %scan3A_745, %mul3A_747 : i32
      %add3A_749 = arith.constant 48 : i32
      %add3A_750 = arith.addi %mul3A_748, %add3A_749 : i32
      %get3A = arith.index_cast %add3A_750 : i32 to index
      %get3A_751 = tpu.vector_load %arg6[%get3A] {strides = array<i32>} : memref<25600xf32, #tpu.memory_space<vmem>>, vector<16xf32>,
      %get3A_752 = vector.shape_cast %get3A_751 : vector<16xf32> to vector<16xf32>
      %add3A_753 = arith.addf %scan3A_746, %get3A_752 : vector<16xf32>
      scf.yield %add3A_753 : vector<16xf32>
    }
    %scan3A_74 = arith.constant 200 : i32
    %neg3A_75 = arith.constant 0.000000e+00 : f32
    %neg3A_76 = vector.broadcast %neg3A_75 : f32 to vector<16xf32>
    %neg3A_77 = arith.subf %neg3A_76, %scan3A_73 : vector<16xf32>
    %exp3A_78 = math.exp %neg3A_77 : vector<16xf32>
    %add3A_79 = arith.constant 1.000000e+00 : f32
    %add3A_80 = vector.broadcast %add3A_79 : f32 to vector<16xf32>
    %add3A_81 = arith.addf %add3A_80, %exp3A_78 : vector<16xf32>
    %div3A_82 = arith.constant 1.000000e+00 : f32
    %div3A_83 = vector.broadcast %div3A_82 : f32 to vector<16xf32>
    %div3A_84 = arith.divf %div3A_83, %add3A_81 : vector<16xf32>
    %swap3A_85 = arith.constant 48 : index
    %swap3A_86 = tpu.vector_load %arg7[%swap3A_85] {strides = array<i32>} : memref<128xf32, #tpu.memory_space<vmem>>, vector<16xf32>,
    %swap3A_87 = vector.shape_cast %swap3A_86 : vector<16xf32> to vector<16xf32>
    %swap3A_88 = vector.shape_cast %div3A_84 : vector<16xf32> to vector<16xf32>
    tpu.vector_store %arg7[%swap3A_85], %swap3A_88 {strides = array<i32>} : memref<128xf32, #tpu.memory_space<vmem>>, vector<16xf32>,
    %broadcast_in_dim3A_89 = arith.constant 0.000000e+00 : f32
    %broadcast_in_dim3A_90 = vector.broadcast %broadcast_in_dim3A_89 : f32 to vector<16xf32>
    %scan3A_91 = arith.constant 0 : i32
    %scan3A_92 = arith.constant 200 : i32
    %scan3A_93 = arith.addi %scan3A_91, %scan3A_92 : i32
    %scan3A_94 = arith.constant 1 : i32
    %scan3A_95 = scf.for %scan3A_745 = %scan3A_91 to %scan3A_93 step %scan3A_94 iter_args(%scan3A_746 = %broadcast_in_dim3A_90) -> (vector<16xf32>)  : i32 {
      %mul3A_747 = arith.constant 128 : i32
      %mul3A_748 = arith.muli %scan3A_745, %mul3A_747 : i32
      %add3A_749 = arith.constant 64 : i32
      %add3A_750 = arith.addi %mul3A_748, %add3A_749 : i32
      %get3A = arith.index_cast %add3A_750 : i32 to index
      %get3A_751 = tpu.vector_load %arg6[%get3A] {strides = array<i32>} : memref<25600xf32, #tpu.memory_space<vmem>>, vector<16xf32>,
      %get3A_752 = vector.shape_cast %get3A_751 : vector<16xf32> to vector<16xf32>
      %add3A_753 = arith.addf %scan3A_746, %get3A_752 : vector<16xf32>
      scf.yield %add3A_753 : vector<16xf32>
    }
    %scan3A_96 = arith.constant 200 : i32
    %neg3A_97 = arith.constant 0.000000e+00 : f32
    %neg3A_98 = vector.broadcast %neg3A_97 : f32 to vector<16xf32>
    %neg3A_99 = arith.subf %neg3A_98, %scan3A_95 : vector<16xf32>
    %exp3A_100 = math.exp %neg3A_99 : vector<16xf32>
    %add3A_101 = arith.constant 1.000000e+00 : f32
    %add3A_102 = vector.broadcast %add3A_101 : f32 to vector<16xf32>
    %add3A_103 = arith.addf %add3A_102, %exp3A_100 : vector<16xf32>
    %div3A_104 = arith.constant 1.000000e+00 : f32
    %div3A_105 = vector.broadcast %div3A_104 : f32 to vector<16xf32>
    %div3A_106 = arith.divf %div3A_105, %add3A_103 : vector<16xf32>
    %swap3A_107 = arith.constant 64 : index
    %swap3A_108 = tpu.vector_load %arg7[%swap3A_107] {strides = array<i32>} : memref<128xf32, #tpu.memory_space<vmem>>, vector<16xf32>,
    %swap3A_109 = vector.shape_cast %swap3A_108 : vector<16xf32> to vector<16xf32>
    %swap3A_110 = vector.shape_cast %div3A_106 : vector<16xf32> to vector<16xf32>
    tpu.vector_store %arg7[%swap3A_107], %swap3A_110 {strides = array<i32>} : memref<128xf32, #tpu.memory_space<vmem>>, vector<16xf32>,
    %broadcast_in_dim3A_111 = arith.constant 0.000000e+00 : f32
    %broadcast_in_dim3A_112 = vector.broadcast %broadcast_in_dim3A_111 : f32 to vector<16xf32>
    %scan3A_113 = arith.constant 0 : i32
    %scan3A_114 = arith.constant 200 : i32
    %scan3A_115 = arith.addi %scan3A_113, %scan3A_114 : i32
    %scan3A_116 = arith.constant 1 : i32
    %scan3A_117 = scf.for %scan3A_745 = %scan3A_113 to %scan3A_115 step %scan3A_116 iter_args(%scan3A_746 = %broadcast_in_dim3A_112) -> (vector<16xf32>)  : i32 {
      %mul3A_747 = arith.constant 128 : i32
      %mul3A_748 = arith.muli %scan3A_745, %mul3A_747 : i32
      %add3A_749 = arith.constant 80 : i32
      %add3A_750 = arith.addi %mul3A_748, %add3A_749 : i32
      %get3A = arith.index_cast %add3A_750 : i32 to index
      %get3A_751 = tpu.vector_load %arg6[%get3A] {strides = array<i32>} : memref<25600xf32, #tpu.memory_space<vmem>>, vector<16xf32>,
      %get3A_752 = vector.shape_cast %get3A_751 : vector<16xf32> to vector<16xf32>
      %add3A_753 = arith.addf %scan3A_746, %get3A_752 : vector<16xf32>
      scf.yield %add3A_753 : vector<16xf32>
    }
    %scan3A_118 = arith.constant 200 : i32
    %neg3A_119 = arith.constant 0.000000e+00 : f32
    %neg3A_120 = vector.broadcast %neg3A_119 : f32 to vector<16xf32>
    %neg3A_121 = arith.subf %neg3A_120, %scan3A_117 : vector<16xf32>
    %exp3A_122 = math.exp %neg3A_121 : vector<16xf32>
    %add3A_123 = arith.constant 1.000000e+00 : f32
    %add3A_124 = vector.broadcast %add3A_123 : f32 to vector<16xf32>
    %add3A_125 = arith.addf %add3A_124, %exp3A_122 : vector<16xf32>
    %div3A_126 = arith.constant 1.000000e+00 : f32
    %div3A_127 = vector.broadcast %div3A_126 : f32 to vector<16xf32>
    %div3A_128 = arith.divf %div3A_127, %add3A_125 : vector<16xf32>
    %swap3A_129 = arith.constant 80 : index
    %swap3A_130 = tpu.vector_load %arg7[%swap3A_129] {strides = array<i32>} : memref<128xf32, #tpu.memory_space<vmem>>, vector<16xf32>,
    %swap3A_131 = vector.shape_cast %swap3A_130 : vector<16xf32> to vector<16xf32>
    %swap3A_132 = vector.shape_cast %div3A_128 : vector<16xf32> to vector<16xf32>
    tpu.vector_store %arg7[%swap3A_129], %swap3A_132 {strides = array<i32>} : memref<128xf32, #tpu.memory_space<vmem>>, vector<16xf32>,
    %broadcast_in_dim3A_133 = arith.constant 0.000000e+00 : f32
    %broadcast_in_dim3A_134 = vector.broadcast %broadcast_in_dim3A_133 : f32 to vector<16xf32>
    %scan3A_135 = arith.constant 0 : i32
    %scan3A_136 = arith.constant 200 : i32
    %scan3A_137 = arith.addi %scan3A_135, %scan3A_136 : i32
    %scan3A_138 = arith.constant 1 : i32
    %scan3A_139 = scf.for %scan3A_745 = %scan3A_135 to %scan3A_137 step %scan3A_138 iter_args(%scan3A_746 = %broadcast_in_dim3A_134) -> (vector<16xf32>)  : i32 {
      %mul3A_747 = arith.constant 128 : i32
      %mul3A_748 = arith.muli %scan3A_745, %mul3A_747 : i32
      %add3A_749 = arith.constant 96 : i32
      %add3A_750 = arith.addi %mul3A_748, %add3A_749 : i32
      %get3A = arith.index_cast %add3A_750 : i32 to index
      %get3A_751 = tpu.vector_load %arg6[%get3A] {strides = array<i32>} : memref<25600xf32, #tpu.memory_space<vmem>>, vector<16xf32>,
      %get3A_752 = vector.shape_cast %get3A_751 : vector<16xf32> to vector<16xf32>
      %add3A_753 = arith.addf %scan3A_746, %get3A_752 : vector<16xf32>
      scf.yield %add3A_753 : vector<16xf32>
    }
    %scan3A_140 = arith.constant 200 : i32
    %neg3A_141 = arith.constant 0.000000e+00 : f32
    %neg3A_142 = vector.broadcast %neg3A_141 : f32 to vector<16xf32>
    %neg3A_143 = arith.subf %neg3A_142, %scan3A_139 : vector<16xf32>
    %exp3A_144 = math.exp %neg3A_143 : vector<16xf32>
    %add3A_145 = arith.constant 1.000000e+00 : f32
    %add3A_146 = vector.broadcast %add3A_145 : f32 to vector<16xf32>
    %add3A_147 = arith.addf %add3A_146, %exp3A_144 : vector<16xf32>
    %div3A_148 = arith.constant 1.000000e+00 : f32
    %div3A_149 = vector.broadcast %div3A_148 : f32 to vector<16xf32>
    %div3A_150 = arith.divf %div3A_149, %add3A_147 : vector<16xf32>
    %swap3A_151 = arith.constant 96 : index
    %swap3A_152 = tpu.vector_load %arg7[%swap3A_151] {strides = array<i32>} : memref<128xf32, #tpu.memory_space<vmem>>, vector<16xf32>,
    %swap3A_153 = vector.shape_cast %swap3A_152 : vector<16xf32> to vector<16xf32>
    %swap3A_154 = vector.shape_cast %div3A_150 : vector<16xf32> to vector<16xf32>
    tpu.vector_store %arg7[%swap3A_151], %swap3A_154 {strides = array<i32>} : memref<128xf32, #tpu.memory_space<vmem>>, vector<16xf32>,
    %broadcast_in_dim3A_155 = arith.constant 0.000000e+00 : f32
    %broadcast_in_dim3A_156 = vector.broadcast %broadcast_in_dim3A_155 : f32 to vector<16xf32>
    %scan3A_157 = arith.constant 0 : i32
    %scan3A_158 = arith.constant 200 : i32
    %scan3A_159 = arith.addi %scan3A_157, %scan3A_158 : i32
    %scan3A_160 = arith.constant 1 : i32
    %scan3A_161 = scf.for %scan3A_745 = %scan3A_157 to %scan3A_159 step %scan3A_160 iter_args(%scan3A_746 = %broadcast_in_dim3A_156) -> (vector<16xf32>)  : i32 {
      %mul3A_747 = arith.constant 128 : i32
      %mul3A_748 = arith.muli %scan3A_745, %mul3A_747 : i32
      %add3A_749 = arith.constant 112 : i32
      %add3A_750 = arith.addi %mul3A_748, %add3A_749 : i32
      %get3A = arith.index_cast %add3A_750 : i32 to index
      %get3A_751 = tpu.vector_load %arg6[%get3A] {strides = array<i32>} : memref<25600xf32, #tpu.memory_space<vmem>>, vector<16xf32>,
      %get3A_752 = vector.shape_cast %get3A_751 : vector<16xf32> to vector<16xf32>
      %add3A_753 = arith.addf %scan3A_746, %get3A_752 : vector<16xf32>
      scf.yield %add3A_753 : vector<16xf32>
    }
    %scan3A_162 = arith.constant 200 : i32
    %neg3A_163 = arith.constant 0.000000e+00 : f32
    %neg3A_164 = vector.broadcast %neg3A_163 : f32 to vector<16xf32>
    %neg3A_165 = arith.subf %neg3A_164, %scan3A_161 : vector<16xf32>
    %exp3A_166 = math.exp %neg3A_165 : vector<16xf32>
    %add3A_167 = arith.constant 1.000000e+00 : f32
    %add3A_168 = vector.broadcast %add3A_167 : f32 to vector<16xf32>
    %add3A_169 = arith.addf %add3A_168, %exp3A_166 : vector<16xf32>
    %div3A_170 = arith.constant 1.000000e+00 : f32
    %div3A_171 = vector.broadcast %div3A_170 : f32 to vector<16xf32>
    %div3A_172 = arith.divf %div3A_171, %add3A_169 : vector<16xf32>
    %swap3A_173 = arith.constant 112 : index
    %swap3A_174 = tpu.vector_load %arg7[%swap3A_173] {strides = array<i32>} : memref<128xf32, #tpu.memory_space<vmem>>, vector<16xf32>,
    %swap3A_175 = vector.shape_cast %swap3A_174 : vector<16xf32> to vector<16xf32>
    %swap3A_176 = vector.shape_cast %div3A_172 : vector<16xf32> to vector<16xf32>
    tpu.vector_store %arg7[%swap3A_173], %swap3A_176 {strides = array<i32>} : memref<128xf32, #tpu.memory_space<vmem>>, vector<16xf32>,
    %mul3A_177 = arith.constant 512 : i32
    %mul3A_178 = arith.muli %add3A, %mul3A_177 : i32
    %add3A_179 = arith.constant 0 : i32
    %add3A_180 = arith.addi %mul3A_178, %add3A_179 : i32
    "tpu.region"() ({
      %run_scoped3A = tpu.sem_alloc : memref<!tpu.dma_semaphore, #tpu.memory_space<semaphore_mem>>
      %dma_start3A_745 = tpu.memref_slice %arg4[%add3A_180] : memref<16384xf32, #tpu.memory_space<hbm>> -> memref<128xf32, #tpu.memory_space<hbm>>
      %dma_start3A_746 = tpu.memref_slice %arg4[%add3A_180] : memref<16384xf32, #tpu.memory_space<hbm>> -> memref<128xf32, #tpu.memory_space<hbm>>
      tpu.enqueue_dma source(%arg7 : memref<128xf32, #tpu.memory_space<vmem>>) target(%dma_start3A_746 : memref<128xf32, #tpu.memory_space<hbm>>) target_semaphore(%run_scoped3A : memref<!tpu.dma_semaphore, #tpu.memory_space<semaphore_mem>>)
      %dma_wait3A_747 = tpu.memref_slice %arg4[%add3A_180] : memref<16384xf32, #tpu.memory_space<hbm>> -> memref<128xf32, #tpu.memory_space<hbm>>
      %dma_wait3A_748 = tpu.memref_slice %arg4[%add3A_180] : memref<16384xf32, #tpu.memory_space<hbm>> -> memref<128xf32, #tpu.memory_space<hbm>>
      tpu.wait_dma2 semaphore(%run_scoped3A : memref<!tpu.dma_semaphore, #tpu.memory_space<semaphore_mem>>) src(%arg7 : memref<128xf32, #tpu.memory_space<vmem>>) dst(%dma_wait3A_748 : memref<128xf32, #tpu.memory_space<hbm>>)
      tpu.yield
    }) : () -> ()
    %mul3A_181 = arith.constant 102400 : i32
    %mul3A_182 = arith.muli %add3A, %mul3A_181 : i32
    %add3A_183 = arith.constant 25600 : i32
    %add3A_184 = arith.addi %mul3A_182, %add3A_183 : i32
    "tpu.region"() ({
      %run_scoped3A = tpu.sem_alloc : memref<!tpu.dma_semaphore, #tpu.memory_space<semaphore_mem>>
      %dma_start3A_745 = tpu.memref_slice %arg2[%add3A_184] : memref<3276800xi32, #tpu.memory_space<hbm>> -> memref<25600xi32, #tpu.memory_space<hbm>>
      %dma_start3A_746 = tpu.memref_slice %arg2[%add3A_184] : memref<3276800xi32, #tpu.memory_space<hbm>> -> memref<25600xi32, #tpu.memory_space<hbm>>
      tpu.enqueue_dma source(%dma_start3A_746 : memref<25600xi32, #tpu.memory_space<hbm>>) target(%arg5 : memref<25600xi32, #tpu.memory_space<vmem>>) target_semaphore(%run_scoped3A : memref<!tpu.dma_semaphore, #tpu.memory_space<semaphore_mem>>)
      %dma_wait3A_747 = tpu.memref_slice %arg2[%add3A_184] : memref<3276800xi32, #tpu.memory_space<hbm>> -> memref<25600xi32, #tpu.memory_space<hbm>>
      %dma_wait3A_748 = tpu.memref_slice %arg2[%add3A_184] : memref<3276800xi32, #tpu.memory_space<hbm>> -> memref<25600xi32, #tpu.memory_space<hbm>>
      tpu.wait_dma2 semaphore(%run_scoped3A : memref<!tpu.dma_semaphore, #tpu.memory_space<semaphore_mem>>) src(%dma_wait3A_748 : memref<25600xi32, #tpu.memory_space<hbm>>) dst(%arg5 : memref<25600xi32, #tpu.memory_space<vmem>>)
      tpu.yield
    }) : () -> ()
    %dma_start3A_185 = arith.constant 0 : i32
    %dma_start3A_186 = tpu.memref_slice %arg3[%dma_start3A_185] : memref<1007616xf32, #tpu.memory_space<hbm>> -> memref<1007616xf32, #tpu.memory_space<hbm>>
    tpu.enqueue_indirect_dma source(%dma_start3A_186 : memref<1007616xf32, #tpu.memory_space<hbm>>) target(%arg6 : memref<25600xf32, #tpu.memory_space<vmem>>) offsets(%arg5 : memref<25600xi32, #tpu.memory_space<vmem>>) semaphore(%arg8 : memref<!tpu.dma_semaphore, #tpu.memory_space<semaphore_mem>>)
    %dma_wait3A_187 = arith.constant 0 : i32
    %dma_wait3A_188 = tpu.memref_slice %arg3[%dma_wait3A_187] : memref<1007616xf32, #tpu.memory_space<hbm>> -> memref<1007616xf32, #tpu.memory_space<hbm>>
    tpu.wait_indirect_dma semaphore(%arg8 : memref<!tpu.dma_semaphore, #tpu.memory_space<semaphore_mem>>) src(%dma_wait3A_188 : memref<1007616xf32, #tpu.memory_space<hbm>>) dst(%arg6 : memref<25600xf32, #tpu.memory_space<vmem>>)
    %broadcast_in_dim3A_189 = arith.constant 0.000000e+00 : f32
    %broadcast_in_dim3A_190 = vector.broadcast %broadcast_in_dim3A_189 : f32 to vector<16xf32>
    %scan3A_191 = arith.constant 0 : i32
    %scan3A_192 = arith.constant 200 : i32
    %scan3A_193 = arith.addi %scan3A_191, %scan3A_192 : i32
    %scan3A_194 = arith.constant 1 : i32
    %scan3A_195 = scf.for %scan3A_745 = %scan3A_191 to %scan3A_193 step %scan3A_194 iter_args(%scan3A_746 = %broadcast_in_dim3A_190) -> (vector<16xf32>)  : i32 {
      %mul3A_747 = arith.constant 128 : i32
      %mul3A_748 = arith.muli %scan3A_745, %mul3A_747 : i32
      %add3A_749 = arith.constant 0 : i32
      %add3A_750 = arith.addi %mul3A_748, %add3A_749 : i32
      %get3A = arith.index_cast %add3A_750 : i32 to index
      %get3A_751 = tpu.vector_load %arg6[%get3A] {strides = array<i32>} : memref<25600xf32, #tpu.memory_space<vmem>>, vector<16xf32>,
      %get3A_752 = vector.shape_cast %get3A_751 : vector<16xf32> to vector<16xf32>
      %add3A_753 = arith.addf %scan3A_746, %get3A_752 : vector<16xf32>
      scf.yield %add3A_753 : vector<16xf32>
    }
    %scan3A_196 = arith.constant 200 : i32
    %neg3A_197 = arith.constant 0.000000e+00 : f32
    %neg3A_198 = vector.broadcast %neg3A_197 : f32 to vector<16xf32>
    %neg3A_199 = arith.subf %neg3A_198, %scan3A_195 : vector<16xf32>
    %exp3A_200 = math.exp %neg3A_199 : vector<16xf32>
    %add3A_201 = arith.constant 1.000000e+00 : f32
    %add3A_202 = vector.broadcast %add3A_201 : f32 to vector<16xf32>
    %add3A_203 = arith.addf %add3A_202, %exp3A_200 : vector<16xf32>
    %div3A_204 = arith.constant 1.000000e+00 : f32
    %div3A_205 = vector.broadcast %div3A_204 : f32 to vector<16xf32>
    %div3A_206 = arith.divf %div3A_205, %add3A_203 : vector<16xf32>
    %swap3A_207 = arith.constant 0 : index
    %swap3A_208 = tpu.vector_load %arg7[%swap3A_207] {strides = array<i32>} : memref<128xf32, #tpu.memory_space<vmem>>, vector<16xf32>,
    %swap3A_209 = vector.shape_cast %swap3A_208 : vector<16xf32> to vector<16xf32>
    %swap3A_210 = vector.shape_cast %div3A_206 : vector<16xf32> to vector<16xf32>
    tpu.vector_store %arg7[%swap3A_207], %swap3A_210 {strides = array<i32>} : memref<128xf32, #tpu.memory_space<vmem>>, vector<16xf32>,
    %broadcast_in_dim3A_211 = arith.constant 0.000000e+00 : f32
    %broadcast_in_dim3A_212 = vector.broadcast %broadcast_in_dim3A_211 : f32 to vector<16xf32>
    %scan3A_213 = arith.constant 0 : i32
    %scan3A_214 = arith.constant 200 : i32
    %scan3A_215 = arith.addi %scan3A_213, %scan3A_214 : i32
    %scan3A_216 = arith.constant 1 : i32
    %scan3A_217 = scf.for %scan3A_745 = %scan3A_213 to %scan3A_215 step %scan3A_216 iter_args(%scan3A_746 = %broadcast_in_dim3A_212) -> (vector<16xf32>)  : i32 {
      %mul3A_747 = arith.constant 128 : i32
      %mul3A_748 = arith.muli %scan3A_745, %mul3A_747 : i32
      %add3A_749 = arith.constant 16 : i32
      %add3A_750 = arith.addi %mul3A_748, %add3A_749 : i32
      %get3A = arith.index_cast %add3A_750 : i32 to index
      %get3A_751 = tpu.vector_load %arg6[%get3A] {strides = array<i32>} : memref<25600xf32, #tpu.memory_space<vmem>>, vector<16xf32>,
      %get3A_752 = vector.shape_cast %get3A_751 : vector<16xf32> to vector<16xf32>
      %add3A_753 = arith.addf %scan3A_746, %get3A_752 : vector<16xf32>
      scf.yield %add3A_753 : vector<16xf32>
    }
    %scan3A_218 = arith.constant 200 : i32
    %neg3A_219 = arith.constant 0.000000e+00 : f32
    %neg3A_220 = vector.broadcast %neg3A_219 : f32 to vector<16xf32>
    %neg3A_221 = arith.subf %neg3A_220, %scan3A_217 : vector<16xf32>
    %exp3A_222 = math.exp %neg3A_221 : vector<16xf32>
    %add3A_223 = arith.constant 1.000000e+00 : f32
    %add3A_224 = vector.broadcast %add3A_223 : f32 to vector<16xf32>
    %add3A_225 = arith.addf %add3A_224, %exp3A_222 : vector<16xf32>
    %div3A_226 = arith.constant 1.000000e+00 : f32
    %div3A_227 = vector.broadcast %div3A_226 : f32 to vector<16xf32>
    %div3A_228 = arith.divf %div3A_227, %add3A_225 : vector<16xf32>
    %swap3A_229 = arith.constant 16 : index
    %swap3A_230 = tpu.vector_load %arg7[%swap3A_229] {strides = array<i32>} : memref<128xf32, #tpu.memory_space<vmem>>, vector<16xf32>,
    %swap3A_231 = vector.shape_cast %swap3A_230 : vector<16xf32> to vector<16xf32>
    %swap3A_232 = vector.shape_cast %div3A_228 : vector<16xf32> to vector<16xf32>
    tpu.vector_store %arg7[%swap3A_229], %swap3A_232 {strides = array<i32>} : memref<128xf32, #tpu.memory_space<vmem>>, vector<16xf32>,
    %broadcast_in_dim3A_233 = arith.constant 0.000000e+00 : f32
    %broadcast_in_dim3A_234 = vector.broadcast %broadcast_in_dim3A_233 : f32 to vector<16xf32>
    %scan3A_235 = arith.constant 0 : i32
    %scan3A_236 = arith.constant 200 : i32
    %scan3A_237 = arith.addi %scan3A_235, %scan3A_236 : i32
    %scan3A_238 = arith.constant 1 : i32
    %scan3A_239 = scf.for %scan3A_745 = %scan3A_235 to %scan3A_237 step %scan3A_238 iter_args(%scan3A_746 = %broadcast_in_dim3A_234) -> (vector<16xf32>)  : i32 {
      %mul3A_747 = arith.constant 128 : i32
      %mul3A_748 = arith.muli %scan3A_745, %mul3A_747 : i32
      %add3A_749 = arith.constant 32 : i32
      %add3A_750 = arith.addi %mul3A_748, %add3A_749 : i32
      %get3A = arith.index_cast %add3A_750 : i32 to index
      %get3A_751 = tpu.vector_load %arg6[%get3A] {strides = array<i32>} : memref<25600xf32, #tpu.memory_space<vmem>>, vector<16xf32>,
      %get3A_752 = vector.shape_cast %get3A_751 : vector<16xf32> to vector<16xf32>
      %add3A_753 = arith.addf %scan3A_746, %get3A_752 : vector<16xf32>
      scf.yield %add3A_753 : vector<16xf32>
    }
    %scan3A_240 = arith.constant 200 : i32
    %neg3A_241 = arith.constant 0.000000e+00 : f32
    %neg3A_242 = vector.broadcast %neg3A_241 : f32 to vector<16xf32>
    %neg3A_243 = arith.subf %neg3A_242, %scan3A_239 : vector<16xf32>
    %exp3A_244 = math.exp %neg3A_243 : vector<16xf32>
    %add3A_245 = arith.constant 1.000000e+00 : f32
    %add3A_246 = vector.broadcast %add3A_245 : f32 to vector<16xf32>
    %add3A_247 = arith.addf %add3A_246, %exp3A_244 : vector<16xf32>
    %div3A_248 = arith.constant 1.000000e+00 : f32
    %div3A_249 = vector.broadcast %div3A_248 : f32 to vector<16xf32>
    %div3A_250 = arith.divf %div3A_249, %add3A_247 : vector<16xf32>
    %swap3A_251 = arith.constant 32 : index
    %swap3A_252 = tpu.vector_load %arg7[%swap3A_251] {strides = array<i32>} : memref<128xf32, #tpu.memory_space<vmem>>, vector<16xf32>,
    %swap3A_253 = vector.shape_cast %swap3A_252 : vector<16xf32> to vector<16xf32>
    %swap3A_254 = vector.shape_cast %div3A_250 : vector<16xf32> to vector<16xf32>
    tpu.vector_store %arg7[%swap3A_251], %swap3A_254 {strides = array<i32>} : memref<128xf32, #tpu.memory_space<vmem>>, vector<16xf32>,
    %broadcast_in_dim3A_255 = arith.constant 0.000000e+00 : f32
    %broadcast_in_dim3A_256 = vector.broadcast %broadcast_in_dim3A_255 : f32 to vector<16xf32>
    %scan3A_257 = arith.constant 0 : i32
    %scan3A_258 = arith.constant 200 : i32
    %scan3A_259 = arith.addi %scan3A_257, %scan3A_258 : i32
    %scan3A_260 = arith.constant 1 : i32
    %scan3A_261 = scf.for %scan3A_745 = %scan3A_257 to %scan3A_259 step %scan3A_260 iter_args(%scan3A_746 = %broadcast_in_dim3A_256) -> (vector<16xf32>)  : i32 {
      %mul3A_747 = arith.constant 128 : i32
      %mul3A_748 = arith.muli %scan3A_745, %mul3A_747 : i32
      %add3A_749 = arith.constant 48 : i32
      %add3A_750 = arith.addi %mul3A_748, %add3A_749 : i32
      %get3A = arith.index_cast %add3A_750 : i32 to index
      %get3A_751 = tpu.vector_load %arg6[%get3A] {strides = array<i32>} : memref<25600xf32, #tpu.memory_space<vmem>>, vector<16xf32>,
      %get3A_752 = vector.shape_cast %get3A_751 : vector<16xf32> to vector<16xf32>
      %add3A_753 = arith.addf %scan3A_746, %get3A_752 : vector<16xf32>
      scf.yield %add3A_753 : vector<16xf32>
    }
    %scan3A_262 = arith.constant 200 : i32
    %neg3A_263 = arith.constant 0.000000e+00 : f32
    %neg3A_264 = vector.broadcast %neg3A_263 : f32 to vector<16xf32>
    %neg3A_265 = arith.subf %neg3A_264, %scan3A_261 : vector<16xf32>
    %exp3A_266 = math.exp %neg3A_265 : vector<16xf32>
    %add3A_267 = arith.constant 1.000000e+00 : f32
    %add3A_268 = vector.broadcast %add3A_267 : f32 to vector<16xf32>
    %add3A_269 = arith.addf %add3A_268, %exp3A_266 : vector<16xf32>
    %div3A_270 = arith.constant 1.000000e+00 : f32
    %div3A_271 = vector.broadcast %div3A_270 : f32 to vector<16xf32>
    %div3A_272 = arith.divf %div3A_271, %add3A_269 : vector<16xf32>
    %swap3A_273 = arith.constant 48 : index
    %swap3A_274 = tpu.vector_load %arg7[%swap3A_273] {strides = array<i32>} : memref<128xf32, #tpu.memory_space<vmem>>, vector<16xf32>,
    %swap3A_275 = vector.shape_cast %swap3A_274 : vector<16xf32> to vector<16xf32>
    %swap3A_276 = vector.shape_cast %div3A_272 : vector<16xf32> to vector<16xf32>
    tpu.vector_store %arg7[%swap3A_273], %swap3A_276 {strides = array<i32>} : memref<128xf32, #tpu.memory_space<vmem>>, vector<16xf32>,
    %broadcast_in_dim3A_277 = arith.constant 0.000000e+00 : f32
    %broadcast_in_dim3A_278 = vector.broadcast %broadcast_in_dim3A_277 : f32 to vector<16xf32>
    %scan3A_279 = arith.constant 0 : i32
    %scan3A_280 = arith.constant 200 : i32
    %scan3A_281 = arith.addi %scan3A_279, %scan3A_280 : i32
    %scan3A_282 = arith.constant 1 : i32
    %scan3A_283 = scf.for %scan3A_745 = %scan3A_279 to %scan3A_281 step %scan3A_282 iter_args(%scan3A_746 = %broadcast_in_dim3A_278) -> (vector<16xf32>)  : i32 {
      %mul3A_747 = arith.constant 128 : i32
      %mul3A_748 = arith.muli %scan3A_745, %mul3A_747 : i32
      %add3A_749 = arith.constant 64 : i32
      %add3A_750 = arith.addi %mul3A_748, %add3A_749 : i32
      %get3A = arith.index_cast %add3A_750 : i32 to index
      %get3A_751 = tpu.vector_load %arg6[%get3A] {strides = array<i32>} : memref<25600xf32, #tpu.memory_space<vmem>>, vector<16xf32>,
      %get3A_752 = vector.shape_cast %get3A_751 : vector<16xf32> to vector<16xf32>
      %add3A_753 = arith.addf %scan3A_746, %get3A_752 : vector<16xf32>
      scf.yield %add3A_753 : vector<16xf32>
    }
    %scan3A_284 = arith.constant 200 : i32
    %neg3A_285 = arith.constant 0.000000e+00 : f32
    %neg3A_286 = vector.broadcast %neg3A_285 : f32 to vector<16xf32>
    %neg3A_287 = arith.subf %neg3A_286, %scan3A_283 : vector<16xf32>
    %exp3A_288 = math.exp %neg3A_287 : vector<16xf32>
    %add3A_289 = arith.constant 1.000000e+00 : f32
    %add3A_290 = vector.broadcast %add3A_289 : f32 to vector<16xf32>
    %add3A_291 = arith.addf %add3A_290, %exp3A_288 : vector<16xf32>
    %div3A_292 = arith.constant 1.000000e+00 : f32
    %div3A_293 = vector.broadcast %div3A_292 : f32 to vector<16xf32>
    %div3A_294 = arith.divf %div3A_293, %add3A_291 : vector<16xf32>
    %swap3A_295 = arith.constant 64 : index
    %swap3A_296 = tpu.vector_load %arg7[%swap3A_295] {strides = array<i32>} : memref<128xf32, #tpu.memory_space<vmem>>, vector<16xf32>,
    %swap3A_297 = vector.shape_cast %swap3A_296 : vector<16xf32> to vector<16xf32>
    %swap3A_298 = vector.shape_cast %div3A_294 : vector<16xf32> to vector<16xf32>
    tpu.vector_store %arg7[%swap3A_295], %swap3A_298 {strides = array<i32>} : memref<128xf32, #tpu.memory_space<vmem>>, vector<16xf32>,
    %broadcast_in_dim3A_299 = arith.constant 0.000000e+00 : f32
    %broadcast_in_dim3A_300 = vector.broadcast %broadcast_in_dim3A_299 : f32 to vector<16xf32>
    %scan3A_301 = arith.constant 0 : i32
    %scan3A_302 = arith.constant 200 : i32
    %scan3A_303 = arith.addi %scan3A_301, %scan3A_302 : i32
    %scan3A_304 = arith.constant 1 : i32
    %scan3A_305 = scf.for %scan3A_745 = %scan3A_301 to %scan3A_303 step %scan3A_304 iter_args(%scan3A_746 = %broadcast_in_dim3A_300) -> (vector<16xf32>)  : i32 {
      %mul3A_747 = arith.constant 128 : i32
      %mul3A_748 = arith.muli %scan3A_745, %mul3A_747 : i32
      %add3A_749 = arith.constant 80 : i32
      %add3A_750 = arith.addi %mul3A_748, %add3A_749 : i32
      %get3A = arith.index_cast %add3A_750 : i32 to index
      %get3A_751 = tpu.vector_load %arg6[%get3A] {strides = array<i32>} : memref<25600xf32, #tpu.memory_space<vmem>>, vector<16xf32>,
      %get3A_752 = vector.shape_cast %get3A_751 : vector<16xf32> to vector<16xf32>
      %add3A_753 = arith.addf %scan3A_746, %get3A_752 : vector<16xf32>
      scf.yield %add3A_753 : vector<16xf32>
    }
    %scan3A_306 = arith.constant 200 : i32
    %neg3A_307 = arith.constant 0.000000e+00 : f32
    %neg3A_308 = vector.broadcast %neg3A_307 : f32 to vector<16xf32>
    %neg3A_309 = arith.subf %neg3A_308, %scan3A_305 : vector<16xf32>
    %exp3A_310 = math.exp %neg3A_309 : vector<16xf32>
    %add3A_311 = arith.constant 1.000000e+00 : f32
    %add3A_312 = vector.broadcast %add3A_311 : f32 to vector<16xf32>
    %add3A_313 = arith.addf %add3A_312, %exp3A_310 : vector<16xf32>
    %div3A_314 = arith.constant 1.000000e+00 : f32
    %div3A_315 = vector.broadcast %div3A_314 : f32 to vector<16xf32>
    %div3A_316 = arith.divf %div3A_315, %add3A_313 : vector<16xf32>
    %swap3A_317 = arith.constant 80 : index
    %swap3A_318 = tpu.vector_load %arg7[%swap3A_317] {strides = array<i32>} : memref<128xf32, #tpu.memory_space<vmem>>, vector<16xf32>,
    %swap3A_319 = vector.shape_cast %swap3A_318 : vector<16xf32> to vector<16xf32>
    %swap3A_320 = vector.shape_cast %div3A_316 : vector<16xf32> to vector<16xf32>
    tpu.vector_store %arg7[%swap3A_317], %swap3A_320 {strides = array<i32>} : memref<128xf32, #tpu.memory_space<vmem>>, vector<16xf32>,
    %broadcast_in_dim3A_321 = arith.constant 0.000000e+00 : f32
    %broadcast_in_dim3A_322 = vector.broadcast %broadcast_in_dim3A_321 : f32 to vector<16xf32>
    %scan3A_323 = arith.constant 0 : i32
    %scan3A_324 = arith.constant 200 : i32
    %scan3A_325 = arith.addi %scan3A_323, %scan3A_324 : i32
    %scan3A_326 = arith.constant 1 : i32
    %scan3A_327 = scf.for %scan3A_745 = %scan3A_323 to %scan3A_325 step %scan3A_326 iter_args(%scan3A_746 = %broadcast_in_dim3A_322) -> (vector<16xf32>)  : i32 {
      %mul3A_747 = arith.constant 128 : i32
      %mul3A_748 = arith.muli %scan3A_745, %mul3A_747 : i32
      %add3A_749 = arith.constant 96 : i32
      %add3A_750 = arith.addi %mul3A_748, %add3A_749 : i32
      %get3A = arith.index_cast %add3A_750 : i32 to index
      %get3A_751 = tpu.vector_load %arg6[%get3A] {strides = array<i32>} : memref<25600xf32, #tpu.memory_space<vmem>>, vector<16xf32>,
      %get3A_752 = vector.shape_cast %get3A_751 : vector<16xf32> to vector<16xf32>
      %add3A_753 = arith.addf %scan3A_746, %get3A_752 : vector<16xf32>
      scf.yield %add3A_753 : vector<16xf32>
    }
    %scan3A_328 = arith.constant 200 : i32
    %neg3A_329 = arith.constant 0.000000e+00 : f32
    %neg3A_330 = vector.broadcast %neg3A_329 : f32 to vector<16xf32>
    %neg3A_331 = arith.subf %neg3A_330, %scan3A_327 : vector<16xf32>
    %exp3A_332 = math.exp %neg3A_331 : vector<16xf32>
    %add3A_333 = arith.constant 1.000000e+00 : f32
    %add3A_334 = vector.broadcast %add3A_333 : f32 to vector<16xf32>
    %add3A_335 = arith.addf %add3A_334, %exp3A_332 : vector<16xf32>
    %div3A_336 = arith.constant 1.000000e+00 : f32
    %div3A_337 = vector.broadcast %div3A_336 : f32 to vector<16xf32>
    %div3A_338 = arith.divf %div3A_337, %add3A_335 : vector<16xf32>
    %swap3A_339 = arith.constant 96 : index
    %swap3A_340 = tpu.vector_load %arg7[%swap3A_339] {strides = array<i32>} : memref<128xf32, #tpu.memory_space<vmem>>, vector<16xf32>,
    %swap3A_341 = vector.shape_cast %swap3A_340 : vector<16xf32> to vector<16xf32>
    %swap3A_342 = vector.shape_cast %div3A_338 : vector<16xf32> to vector<16xf32>
    tpu.vector_store %arg7[%swap3A_339], %swap3A_342 {strides = array<i32>} : memref<128xf32, #tpu.memory_space<vmem>>, vector<16xf32>,
    %broadcast_in_dim3A_343 = arith.constant 0.000000e+00 : f32
    %broadcast_in_dim3A_344 = vector.broadcast %broadcast_in_dim3A_343 : f32 to vector<16xf32>
    %scan3A_345 = arith.constant 0 : i32
    %scan3A_346 = arith.constant 200 : i32
    %scan3A_347 = arith.addi %scan3A_345, %scan3A_346 : i32
    %scan3A_348 = arith.constant 1 : i32
    %scan3A_349 = scf.for %scan3A_745 = %scan3A_345 to %scan3A_347 step %scan3A_348 iter_args(%scan3A_746 = %broadcast_in_dim3A_344) -> (vector<16xf32>)  : i32 {
      %mul3A_747 = arith.constant 128 : i32
      %mul3A_748 = arith.muli %scan3A_745, %mul3A_747 : i32
      %add3A_749 = arith.constant 112 : i32
      %add3A_750 = arith.addi %mul3A_748, %add3A_749 : i32
      %get3A = arith.index_cast %add3A_750 : i32 to index
      %get3A_751 = tpu.vector_load %arg6[%get3A] {strides = array<i32>} : memref<25600xf32, #tpu.memory_space<vmem>>, vector<16xf32>,
      %get3A_752 = vector.shape_cast %get3A_751 : vector<16xf32> to vector<16xf32>
      %add3A_753 = arith.addf %scan3A_746, %get3A_752 : vector<16xf32>
      scf.yield %add3A_753 : vector<16xf32>
    }
    %scan3A_350 = arith.constant 200 : i32
    %neg3A_351 = arith.constant 0.000000e+00 : f32
    %neg3A_352 = vector.broadcast %neg3A_351 : f32 to vector<16xf32>
    %neg3A_353 = arith.subf %neg3A_352, %scan3A_349 : vector<16xf32>
    %exp3A_354 = math.exp %neg3A_353 : vector<16xf32>
    %add3A_355 = arith.constant 1.000000e+00 : f32
    %add3A_356 = vector.broadcast %add3A_355 : f32 to vector<16xf32>
    %add3A_357 = arith.addf %add3A_356, %exp3A_354 : vector<16xf32>
    %div3A_358 = arith.constant 1.000000e+00 : f32
    %div3A_359 = vector.broadcast %div3A_358 : f32 to vector<16xf32>
    %div3A_360 = arith.divf %div3A_359, %add3A_357 : vector<16xf32>
    %swap3A_361 = arith.constant 112 : index
    %swap3A_362 = tpu.vector_load %arg7[%swap3A_361] {strides = array<i32>} : memref<128xf32, #tpu.memory_space<vmem>>, vector<16xf32>,
    %swap3A_363 = vector.shape_cast %swap3A_362 : vector<16xf32> to vector<16xf32>
    %swap3A_364 = vector.shape_cast %div3A_360 : vector<16xf32> to vector<16xf32>
    tpu.vector_store %arg7[%swap3A_361], %swap3A_364 {strides = array<i32>} : memref<128xf32, #tpu.memory_space<vmem>>, vector<16xf32>,
    %mul3A_365 = arith.constant 512 : i32
    %mul3A_366 = arith.muli %add3A, %mul3A_365 : i32
    %add3A_367 = arith.constant 128 : i32
    %add3A_368 = arith.addi %mul3A_366, %add3A_367 : i32
    "tpu.region"() ({
      %run_scoped3A = tpu.sem_alloc : memref<!tpu.dma_semaphore, #tpu.memory_space<semaphore_mem>>
      %dma_start3A_745 = tpu.memref_slice %arg4[%add3A_368] : memref<16384xf32, #tpu.memory_space<hbm>> -> memref<128xf32, #tpu.memory_space<hbm>>
      %dma_start3A_746 = tpu.memref_slice %arg4[%add3A_368] : memref<16384xf32, #tpu.memory_space<hbm>> -> memref<128xf32, #tpu.memory_space<hbm>>
      tpu.enqueue_dma source(%arg7 : memref<128xf32, #tpu.memory_space<vmem>>) target(%dma_start3A_746 : memref<128xf32, #tpu.memory_space<hbm>>) target_semaphore(%run_scoped3A : memref<!tpu.dma_semaphore, #tpu.memory_space<semaphore_mem>>)
      %dma_wait3A_747 = tpu.memref_slice %arg4[%add3A_368] : memref<16384xf32, #tpu.memory_space<hbm>> -> memref<128xf32, #tpu.memory_space<hbm>>
      %dma_wait3A_748 = tpu.memref_slice %arg4[%add3A_368] : memref<16384xf32, #tpu.memory_space<hbm>> -> memref<128xf32, #tpu.memory_space<hbm>>
      tpu.wait_dma2 semaphore(%run_scoped3A : memref<!tpu.dma_semaphore, #tpu.memory_space<semaphore_mem>>) src(%arg7 : memref<128xf32, #tpu.memory_space<vmem>>) dst(%dma_wait3A_748 : memref<128xf32, #tpu.memory_space<hbm>>)
      tpu.yield
    }) : () -> ()
    %mul3A_369 = arith.constant 102400 : i32
    %mul3A_370 = arith.muli %add3A, %mul3A_369 : i32
    %add3A_371 = arith.constant 51200 : i32
    %add3A_372 = arith.addi %mul3A_370, %add3A_371 : i32
    "tpu.region"() ({
      %run_scoped3A = tpu.sem_alloc : memref<!tpu.dma_semaphore, #tpu.memory_space<semaphore_mem>>
      %dma_start3A_745 = tpu.memref_slice %arg2[%add3A_372] : memref<3276800xi32, #tpu.memory_space<hbm>> -> memref<25600xi32, #tpu.memory_space<hbm>>
      %dma_start3A_746 = tpu.memref_slice %arg2[%add3A_372] : memref<3276800xi32, #tpu.memory_space<hbm>> -> memref<25600xi32, #tpu.memory_space<hbm>>
      tpu.enqueue_dma source(%dma_start3A_746 : memref<25600xi32, #tpu.memory_space<hbm>>) target(%arg5 : memref<25600xi32, #tpu.memory_space<vmem>>) target_semaphore(%run_scoped3A : memref<!tpu.dma_semaphore, #tpu.memory_space<semaphore_mem>>)
      %dma_wait3A_747 = tpu.memref_slice %arg2[%add3A_372] : memref<3276800xi32, #tpu.memory_space<hbm>> -> memref<25600xi32, #tpu.memory_space<hbm>>
      %dma_wait3A_748 = tpu.memref_slice %arg2[%add3A_372] : memref<3276800xi32, #tpu.memory_space<hbm>> -> memref<25600xi32, #tpu.memory_space<hbm>>
      tpu.wait_dma2 semaphore(%run_scoped3A : memref<!tpu.dma_semaphore, #tpu.memory_space<semaphore_mem>>) src(%dma_wait3A_748 : memref<25600xi32, #tpu.memory_space<hbm>>) dst(%arg5 : memref<25600xi32, #tpu.memory_space<vmem>>)
      tpu.yield
    }) : () -> ()
    %dma_start3A_373 = arith.constant 0 : i32
    %dma_start3A_374 = tpu.memref_slice %arg3[%dma_start3A_373] : memref<1007616xf32, #tpu.memory_space<hbm>> -> memref<1007616xf32, #tpu.memory_space<hbm>>
    tpu.enqueue_indirect_dma source(%dma_start3A_374 : memref<1007616xf32, #tpu.memory_space<hbm>>) target(%arg6 : memref<25600xf32, #tpu.memory_space<vmem>>) offsets(%arg5 : memref<25600xi32, #tpu.memory_space<vmem>>) semaphore(%arg8 : memref<!tpu.dma_semaphore, #tpu.memory_space<semaphore_mem>>)
    %dma_wait3A_375 = arith.constant 0 : i32
    %dma_wait3A_376 = tpu.memref_slice %arg3[%dma_wait3A_375] : memref<1007616xf32, #tpu.memory_space<hbm>> -> memref<1007616xf32, #tpu.memory_space<hbm>>
    tpu.wait_indirect_dma semaphore(%arg8 : memref<!tpu.dma_semaphore, #tpu.memory_space<semaphore_mem>>) src(%dma_wait3A_376 : memref<1007616xf32, #tpu.memory_space<hbm>>) dst(%arg6 : memref<25600xf32, #tpu.memory_space<vmem>>)
    %broadcast_in_dim3A_377 = arith.constant 0.000000e+00 : f32
    %broadcast_in_dim3A_378 = vector.broadcast %broadcast_in_dim3A_377 : f32 to vector<16xf32>
    %scan3A_379 = arith.constant 0 : i32
    %scan3A_380 = arith.constant 200 : i32
    %scan3A_381 = arith.addi %scan3A_379, %scan3A_380 : i32
    %scan3A_382 = arith.constant 1 : i32
    %scan3A_383 = scf.for %scan3A_745 = %scan3A_379 to %scan3A_381 step %scan3A_382 iter_args(%scan3A_746 = %broadcast_in_dim3A_378) -> (vector<16xf32>)  : i32 {
      %mul3A_747 = arith.constant 128 : i32
      %mul3A_748 = arith.muli %scan3A_745, %mul3A_747 : i32
      %add3A_749 = arith.constant 0 : i32
      %add3A_750 = arith.addi %mul3A_748, %add3A_749 : i32
      %get3A = arith.index_cast %add3A_750 : i32 to index
      %get3A_751 = tpu.vector_load %arg6[%get3A] {strides = array<i32>} : memref<25600xf32, #tpu.memory_space<vmem>>, vector<16xf32>,
      %get3A_752 = vector.shape_cast %get3A_751 : vector<16xf32> to vector<16xf32>
      %add3A_753 = arith.addf %scan3A_746, %get3A_752 : vector<16xf32>
      scf.yield %add3A_753 : vector<16xf32>
    }
    %scan3A_384 = arith.constant 200 : i32
    %neg3A_385 = arith.constant 0.000000e+00 : f32
    %neg3A_386 = vector.broadcast %neg3A_385 : f32 to vector<16xf32>
    %neg3A_387 = arith.subf %neg3A_386, %scan3A_383 : vector<16xf32>
    %exp3A_388 = math.exp %neg3A_387 : vector<16xf32>
    %add3A_389 = arith.constant 1.000000e+00 : f32
    %add3A_390 = vector.broadcast %add3A_389 : f32 to vector<16xf32>
    %add3A_391 = arith.addf %add3A_390, %exp3A_388 : vector<16xf32>
    %div3A_392 = arith.constant 1.000000e+00 : f32
    %div3A_393 = vector.broadcast %div3A_392 : f32 to vector<16xf32>
    %div3A_394 = arith.divf %div3A_393, %add3A_391 : vector<16xf32>
    %swap3A_395 = arith.constant 0 : index
    %swap3A_396 = tpu.vector_load %arg7[%swap3A_395] {strides = array<i32>} : memref<128xf32, #tpu.memory_space<vmem>>, vector<16xf32>,
    %swap3A_397 = vector.shape_cast %swap3A_396 : vector<16xf32> to vector<16xf32>
    %swap3A_398 = vector.shape_cast %div3A_394 : vector<16xf32> to vector<16xf32>
    tpu.vector_store %arg7[%swap3A_395], %swap3A_398 {strides = array<i32>} : memref<128xf32, #tpu.memory_space<vmem>>, vector<16xf32>,
    %broadcast_in_dim3A_399 = arith.constant 0.000000e+00 : f32
    %broadcast_in_dim3A_400 = vector.broadcast %broadcast_in_dim3A_399 : f32 to vector<16xf32>
    %scan3A_401 = arith.constant 0 : i32
    %scan3A_402 = arith.constant 200 : i32
    %scan3A_403 = arith.addi %scan3A_401, %scan3A_402 : i32
    %scan3A_404 = arith.constant 1 : i32
    %scan3A_405 = scf.for %scan3A_745 = %scan3A_401 to %scan3A_403 step %scan3A_404 iter_args(%scan3A_746 = %broadcast_in_dim3A_400) -> (vector<16xf32>)  : i32 {
      %mul3A_747 = arith.constant 128 : i32
      %mul3A_748 = arith.muli %scan3A_745, %mul3A_747 : i32
      %add3A_749 = arith.constant 16 : i32
      %add3A_750 = arith.addi %mul3A_748, %add3A_749 : i32
      %get3A = arith.index_cast %add3A_750 : i32 to index
      %get3A_751 = tpu.vector_load %arg6[%get3A] {strides = array<i32>} : memref<25600xf32, #tpu.memory_space<vmem>>, vector<16xf32>,
      %get3A_752 = vector.shape_cast %get3A_751 : vector<16xf32> to vector<16xf32>
      %add3A_753 = arith.addf %scan3A_746, %get3A_752 : vector<16xf32>
      scf.yield %add3A_753 : vector<16xf32>
    }
    %scan3A_406 = arith.constant 200 : i32
    %neg3A_407 = arith.constant 0.000000e+00 : f32
    %neg3A_408 = vector.broadcast %neg3A_407 : f32 to vector<16xf32>
    %neg3A_409 = arith.subf %neg3A_408, %scan3A_405 : vector<16xf32>
    %exp3A_410 = math.exp %neg3A_409 : vector<16xf32>
    %add3A_411 = arith.constant 1.000000e+00 : f32
    %add3A_412 = vector.broadcast %add3A_411 : f32 to vector<16xf32>
    %add3A_413 = arith.addf %add3A_412, %exp3A_410 : vector<16xf32>
    %div3A_414 = arith.constant 1.000000e+00 : f32
    %div3A_415 = vector.broadcast %div3A_414 : f32 to vector<16xf32>
    %div3A_416 = arith.divf %div3A_415, %add3A_413 : vector<16xf32>
    %swap3A_417 = arith.constant 16 : index
    %swap3A_418 = tpu.vector_load %arg7[%swap3A_417] {strides = array<i32>} : memref<128xf32, #tpu.memory_space<vmem>>, vector<16xf32>,
    %swap3A_419 = vector.shape_cast %swap3A_418 : vector<16xf32> to vector<16xf32>
    %swap3A_420 = vector.shape_cast %div3A_416 : vector<16xf32> to vector<16xf32>
    tpu.vector_store %arg7[%swap3A_417], %swap3A_420 {strides = array<i32>} : memref<128xf32, #tpu.memory_space<vmem>>, vector<16xf32>,
    %broadcast_in_dim3A_421 = arith.constant 0.000000e+00 : f32
    %broadcast_in_dim3A_422 = vector.broadcast %broadcast_in_dim3A_421 : f32 to vector<16xf32>
    %scan3A_423 = arith.constant 0 : i32
    %scan3A_424 = arith.constant 200 : i32
    %scan3A_425 = arith.addi %scan3A_423, %scan3A_424 : i32
    %scan3A_426 = arith.constant 1 : i32
    %scan3A_427 = scf.for %scan3A_745 = %scan3A_423 to %scan3A_425 step %scan3A_426 iter_args(%scan3A_746 = %broadcast_in_dim3A_422) -> (vector<16xf32>)  : i32 {
      %mul3A_747 = arith.constant 128 : i32
      %mul3A_748 = arith.muli %scan3A_745, %mul3A_747 : i32
      %add3A_749 = arith.constant 32 : i32
      %add3A_750 = arith.addi %mul3A_748, %add3A_749 : i32
      %get3A = arith.index_cast %add3A_750 : i32 to index
      %get3A_751 = tpu.vector_load %arg6[%get3A] {strides = array<i32>} : memref<25600xf32, #tpu.memory_space<vmem>>, vector<16xf32>,
      %get3A_752 = vector.shape_cast %get3A_751 : vector<16xf32> to vector<16xf32>
      %add3A_753 = arith.addf %scan3A_746, %get3A_752 : vector<16xf32>
      scf.yield %add3A_753 : vector<16xf32>
    }
    %scan3A_428 = arith.constant 200 : i32
    %neg3A_429 = arith.constant 0.000000e+00 : f32
    %neg3A_430 = vector.broadcast %neg3A_429 : f32 to vector<16xf32>
    %neg3A_431 = arith.subf %neg3A_430, %scan3A_427 : vector<16xf32>
    %exp3A_432 = math.exp %neg3A_431 : vector<16xf32>
    %add3A_433 = arith.constant 1.000000e+00 : f32
    %add3A_434 = vector.broadcast %add3A_433 : f32 to vector<16xf32>
    %add3A_435 = arith.addf %add3A_434, %exp3A_432 : vector<16xf32>
    %div3A_436 = arith.constant 1.000000e+00 : f32
    %div3A_437 = vector.broadcast %div3A_436 : f32 to vector<16xf32>
    %div3A_438 = arith.divf %div3A_437, %add3A_435 : vector<16xf32>
    %swap3A_439 = arith.constant 32 : index
    %swap3A_440 = tpu.vector_load %arg7[%swap3A_439] {strides = array<i32>} : memref<128xf32, #tpu.memory_space<vmem>>, vector<16xf32>,
    %swap3A_441 = vector.shape_cast %swap3A_440 : vector<16xf32> to vector<16xf32>
    %swap3A_442 = vector.shape_cast %div3A_438 : vector<16xf32> to vector<16xf32>
    tpu.vector_store %arg7[%swap3A_439], %swap3A_442 {strides = array<i32>} : memref<128xf32, #tpu.memory_space<vmem>>, vector<16xf32>,
    %broadcast_in_dim3A_443 = arith.constant 0.000000e+00 : f32
    %broadcast_in_dim3A_444 = vector.broadcast %broadcast_in_dim3A_443 : f32 to vector<16xf32>
    %scan3A_445 = arith.constant 0 : i32
    %scan3A_446 = arith.constant 200 : i32
    %scan3A_447 = arith.addi %scan3A_445, %scan3A_446 : i32
    %scan3A_448 = arith.constant 1 : i32
    %scan3A_449 = scf.for %scan3A_745 = %scan3A_445 to %scan3A_447 step %scan3A_448 iter_args(%scan3A_746 = %broadcast_in_dim3A_444) -> (vector<16xf32>)  : i32 {
      %mul3A_747 = arith.constant 128 : i32
      %mul3A_748 = arith.muli %scan3A_745, %mul3A_747 : i32
      %add3A_749 = arith.constant 48 : i32
      %add3A_750 = arith.addi %mul3A_748, %add3A_749 : i32
      %get3A = arith.index_cast %add3A_750 : i32 to index
      %get3A_751 = tpu.vector_load %arg6[%get3A] {strides = array<i32>} : memref<25600xf32, #tpu.memory_space<vmem>>, vector<16xf32>,
      %get3A_752 = vector.shape_cast %get3A_751 : vector<16xf32> to vector<16xf32>
      %add3A_753 = arith.addf %scan3A_746, %get3A_752 : vector<16xf32>
      scf.yield %add3A_753 : vector<16xf32>
    }
    %scan3A_450 = arith.constant 200 : i32
    %neg3A_451 = arith.constant 0.000000e+00 : f32
    %neg3A_452 = vector.broadcast %neg3A_451 : f32 to vector<16xf32>
    %neg3A_453 = arith.subf %neg3A_452, %scan3A_449 : vector<16xf32>
    %exp3A_454 = math.exp %neg3A_453 : vector<16xf32>
    %add3A_455 = arith.constant 1.000000e+00 : f32
    %add3A_456 = vector.broadcast %add3A_455 : f32 to vector<16xf32>
    %add3A_457 = arith.addf %add3A_456, %exp3A_454 : vector<16xf32>
    %div3A_458 = arith.constant 1.000000e+00 : f32
    %div3A_459 = vector.broadcast %div3A_458 : f32 to vector<16xf32>
    %div3A_460 = arith.divf %div3A_459, %add3A_457 : vector<16xf32>
    %swap3A_461 = arith.constant 48 : index
    %swap3A_462 = tpu.vector_load %arg7[%swap3A_461] {strides = array<i32>} : memref<128xf32, #tpu.memory_space<vmem>>, vector<16xf32>,
    %swap3A_463 = vector.shape_cast %swap3A_462 : vector<16xf32> to vector<16xf32>
    %swap3A_464 = vector.shape_cast %div3A_460 : vector<16xf32> to vector<16xf32>
    tpu.vector_store %arg7[%swap3A_461], %swap3A_464 {strides = array<i32>} : memref<128xf32, #tpu.memory_space<vmem>>, vector<16xf32>,
    %broadcast_in_dim3A_465 = arith.constant 0.000000e+00 : f32
    %broadcast_in_dim3A_466 = vector.broadcast %broadcast_in_dim3A_465 : f32 to vector<16xf32>
    %scan3A_467 = arith.constant 0 : i32
    %scan3A_468 = arith.constant 200 : i32
    %scan3A_469 = arith.addi %scan3A_467, %scan3A_468 : i32
    %scan3A_470 = arith.constant 1 : i32
    %scan3A_471 = scf.for %scan3A_745 = %scan3A_467 to %scan3A_469 step %scan3A_470 iter_args(%scan3A_746 = %broadcast_in_dim3A_466) -> (vector<16xf32>)  : i32 {
      %mul3A_747 = arith.constant 128 : i32
      %mul3A_748 = arith.muli %scan3A_745, %mul3A_747 : i32
      %add3A_749 = arith.constant 64 : i32
      %add3A_750 = arith.addi %mul3A_748, %add3A_749 : i32
      %get3A = arith.index_cast %add3A_750 : i32 to index
      %get3A_751 = tpu.vector_load %arg6[%get3A] {strides = array<i32>} : memref<25600xf32, #tpu.memory_space<vmem>>, vector<16xf32>,
      %get3A_752 = vector.shape_cast %get3A_751 : vector<16xf32> to vector<16xf32>
      %add3A_753 = arith.addf %scan3A_746, %get3A_752 : vector<16xf32>
      scf.yield %add3A_753 : vector<16xf32>
    }
    %scan3A_472 = arith.constant 200 : i32
    %neg3A_473 = arith.constant 0.000000e+00 : f32
    %neg3A_474 = vector.broadcast %neg3A_473 : f32 to vector<16xf32>
    %neg3A_475 = arith.subf %neg3A_474, %scan3A_471 : vector<16xf32>
    %exp3A_476 = math.exp %neg3A_475 : vector<16xf32>
    %add3A_477 = arith.constant 1.000000e+00 : f32
    %add3A_478 = vector.broadcast %add3A_477 : f32 to vector<16xf32>
    %add3A_479 = arith.addf %add3A_478, %exp3A_476 : vector<16xf32>
    %div3A_480 = arith.constant 1.000000e+00 : f32
    %div3A_481 = vector.broadcast %div3A_480 : f32 to vector<16xf32>
    %div3A_482 = arith.divf %div3A_481, %add3A_479 : vector<16xf32>
    %swap3A_483 = arith.constant 64 : index
    %swap3A_484 = tpu.vector_load %arg7[%swap3A_483] {strides = array<i32>} : memref<128xf32, #tpu.memory_space<vmem>>, vector<16xf32>,
    %swap3A_485 = vector.shape_cast %swap3A_484 : vector<16xf32> to vector<16xf32>
    %swap3A_486 = vector.shape_cast %div3A_482 : vector<16xf32> to vector<16xf32>
    tpu.vector_store %arg7[%swap3A_483], %swap3A_486 {strides = array<i32>} : memref<128xf32, #tpu.memory_space<vmem>>, vector<16xf32>,
    %broadcast_in_dim3A_487 = arith.constant 0.000000e+00 : f32
    %broadcast_in_dim3A_488 = vector.broadcast %broadcast_in_dim3A_487 : f32 to vector<16xf32>
    %scan3A_489 = arith.constant 0 : i32
    %scan3A_490 = arith.constant 200 : i32
    %scan3A_491 = arith.addi %scan3A_489, %scan3A_490 : i32
    %scan3A_492 = arith.constant 1 : i32
    %scan3A_493 = scf.for %scan3A_745 = %scan3A_489 to %scan3A_491 step %scan3A_492 iter_args(%scan3A_746 = %broadcast_in_dim3A_488) -> (vector<16xf32>)  : i32 {
      %mul3A_747 = arith.constant 128 : i32
      %mul3A_748 = arith.muli %scan3A_745, %mul3A_747 : i32
      %add3A_749 = arith.constant 80 : i32
      %add3A_750 = arith.addi %mul3A_748, %add3A_749 : i32
      %get3A = arith.index_cast %add3A_750 : i32 to index
      %get3A_751 = tpu.vector_load %arg6[%get3A] {strides = array<i32>} : memref<25600xf32, #tpu.memory_space<vmem>>, vector<16xf32>,
      %get3A_752 = vector.shape_cast %get3A_751 : vector<16xf32> to vector<16xf32>
      %add3A_753 = arith.addf %scan3A_746, %get3A_752 : vector<16xf32>
      scf.yield %add3A_753 : vector<16xf32>
    }
    %scan3A_494 = arith.constant 200 : i32
    %neg3A_495 = arith.constant 0.000000e+00 : f32
    %neg3A_496 = vector.broadcast %neg3A_495 : f32 to vector<16xf32>
    %neg3A_497 = arith.subf %neg3A_496, %scan3A_493 : vector<16xf32>
    %exp3A_498 = math.exp %neg3A_497 : vector<16xf32>
    %add3A_499 = arith.constant 1.000000e+00 : f32
    %add3A_500 = vector.broadcast %add3A_499 : f32 to vector<16xf32>
    %add3A_501 = arith.addf %add3A_500, %exp3A_498 : vector<16xf32>
    %div3A_502 = arith.constant 1.000000e+00 : f32
    %div3A_503 = vector.broadcast %div3A_502 : f32 to vector<16xf32>
    %div3A_504 = arith.divf %div3A_503, %add3A_501 : vector<16xf32>
    %swap3A_505 = arith.constant 80 : index
    %swap3A_506 = tpu.vector_load %arg7[%swap3A_505] {strides = array<i32>} : memref<128xf32, #tpu.memory_space<vmem>>, vector<16xf32>,
    %swap3A_507 = vector.shape_cast %swap3A_506 : vector<16xf32> to vector<16xf32>
    %swap3A_508 = vector.shape_cast %div3A_504 : vector<16xf32> to vector<16xf32>
    tpu.vector_store %arg7[%swap3A_505], %swap3A_508 {strides = array<i32>} : memref<128xf32, #tpu.memory_space<vmem>>, vector<16xf32>,
    %broadcast_in_dim3A_509 = arith.constant 0.000000e+00 : f32
    %broadcast_in_dim3A_510 = vector.broadcast %broadcast_in_dim3A_509 : f32 to vector<16xf32>
    %scan3A_511 = arith.constant 0 : i32
    %scan3A_512 = arith.constant 200 : i32
    %scan3A_513 = arith.addi %scan3A_511, %scan3A_512 : i32
    %scan3A_514 = arith.constant 1 : i32
    %scan3A_515 = scf.for %scan3A_745 = %scan3A_511 to %scan3A_513 step %scan3A_514 iter_args(%scan3A_746 = %broadcast_in_dim3A_510) -> (vector<16xf32>)  : i32 {
      %mul3A_747 = arith.constant 128 : i32
      %mul3A_748 = arith.muli %scan3A_745, %mul3A_747 : i32
      %add3A_749 = arith.constant 96 : i32
      %add3A_750 = arith.addi %mul3A_748, %add3A_749 : i32
      %get3A = arith.index_cast %add3A_750 : i32 to index
      %get3A_751 = tpu.vector_load %arg6[%get3A] {strides = array<i32>} : memref<25600xf32, #tpu.memory_space<vmem>>, vector<16xf32>,
      %get3A_752 = vector.shape_cast %get3A_751 : vector<16xf32> to vector<16xf32>
      %add3A_753 = arith.addf %scan3A_746, %get3A_752 : vector<16xf32>
      scf.yield %add3A_753 : vector<16xf32>
    }
    %scan3A_516 = arith.constant 200 : i32
    %neg3A_517 = arith.constant 0.000000e+00 : f32
    %neg3A_518 = vector.broadcast %neg3A_517 : f32 to vector<16xf32>
    %neg3A_519 = arith.subf %neg3A_518, %scan3A_515 : vector<16xf32>
    %exp3A_520 = math.exp %neg3A_519 : vector<16xf32>
    %add3A_521 = arith.constant 1.000000e+00 : f32
    %add3A_522 = vector.broadcast %add3A_521 : f32 to vector<16xf32>
    %add3A_523 = arith.addf %add3A_522, %exp3A_520 : vector<16xf32>
    %div3A_524 = arith.constant 1.000000e+00 : f32
    %div3A_525 = vector.broadcast %div3A_524 : f32 to vector<16xf32>
    %div3A_526 = arith.divf %div3A_525, %add3A_523 : vector<16xf32>
    %swap3A_527 = arith.constant 96 : index
    %swap3A_528 = tpu.vector_load %arg7[%swap3A_527] {strides = array<i32>} : memref<128xf32, #tpu.memory_space<vmem>>, vector<16xf32>,
    %swap3A_529 = vector.shape_cast %swap3A_528 : vector<16xf32> to vector<16xf32>
    %swap3A_530 = vector.shape_cast %div3A_526 : vector<16xf32> to vector<16xf32>
    tpu.vector_store %arg7[%swap3A_527], %swap3A_530 {strides = array<i32>} : memref<128xf32, #tpu.memory_space<vmem>>, vector<16xf32>,
    %broadcast_in_dim3A_531 = arith.constant 0.000000e+00 : f32
    %broadcast_in_dim3A_532 = vector.broadcast %broadcast_in_dim3A_531 : f32 to vector<16xf32>
    %scan3A_533 = arith.constant 0 : i32
    %scan3A_534 = arith.constant 200 : i32
    %scan3A_535 = arith.addi %scan3A_533, %scan3A_534 : i32
    %scan3A_536 = arith.constant 1 : i32
    %scan3A_537 = scf.for %scan3A_745 = %scan3A_533 to %scan3A_535 step %scan3A_536 iter_args(%scan3A_746 = %broadcast_in_dim3A_532) -> (vector<16xf32>)  : i32 {
      %mul3A_747 = arith.constant 128 : i32
      %mul3A_748 = arith.muli %scan3A_745, %mul3A_747 : i32
      %add3A_749 = arith.constant 112 : i32
      %add3A_750 = arith.addi %mul3A_748, %add3A_749 : i32
      %get3A = arith.index_cast %add3A_750 : i32 to index
      %get3A_751 = tpu.vector_load %arg6[%get3A] {strides = array<i32>} : memref<25600xf32, #tpu.memory_space<vmem>>, vector<16xf32>,
      %get3A_752 = vector.shape_cast %get3A_751 : vector<16xf32> to vector<16xf32>
      %add3A_753 = arith.addf %scan3A_746, %get3A_752 : vector<16xf32>
      scf.yield %add3A_753 : vector<16xf32>
    }
    %scan3A_538 = arith.constant 200 : i32
    %neg3A_539 = arith.constant 0.000000e+00 : f32
    %neg3A_540 = vector.broadcast %neg3A_539 : f32 to vector<16xf32>
    %neg3A_541 = arith.subf %neg3A_540, %scan3A_537 : vector<16xf32>
    %exp3A_542 = math.exp %neg3A_541 : vector<16xf32>
    %add3A_543 = arith.constant 1.000000e+00 : f32
    %add3A_544 = vector.broadcast %add3A_543 : f32 to vector<16xf32>
    %add3A_545 = arith.addf %add3A_544, %exp3A_542 : vector<16xf32>
    %div3A_546 = arith.constant 1.000000e+00 : f32
    %div3A_547 = vector.broadcast %div3A_546 : f32 to vector<16xf32>
    %div3A_548 = arith.divf %div3A_547, %add3A_545 : vector<16xf32>
    %swap3A_549 = arith.constant 112 : index
    %swap3A_550 = tpu.vector_load %arg7[%swap3A_549] {strides = array<i32>} : memref<128xf32, #tpu.memory_space<vmem>>, vector<16xf32>,
    %swap3A_551 = vector.shape_cast %swap3A_550 : vector<16xf32> to vector<16xf32>
    %swap3A_552 = vector.shape_cast %div3A_548 : vector<16xf32> to vector<16xf32>
    tpu.vector_store %arg7[%swap3A_549], %swap3A_552 {strides = array<i32>} : memref<128xf32, #tpu.memory_space<vmem>>, vector<16xf32>,
    %mul3A_553 = arith.constant 512 : i32
    %mul3A_554 = arith.muli %add3A, %mul3A_553 : i32
    %add3A_555 = arith.constant 256 : i32
    %add3A_556 = arith.addi %mul3A_554, %add3A_555 : i32
    "tpu.region"() ({
      %run_scoped3A = tpu.sem_alloc : memref<!tpu.dma_semaphore, #tpu.memory_space<semaphore_mem>>
      %dma_start3A_745 = tpu.memref_slice %arg4[%add3A_556] : memref<16384xf32, #tpu.memory_space<hbm>> -> memref<128xf32, #tpu.memory_space<hbm>>
      %dma_start3A_746 = tpu.memref_slice %arg4[%add3A_556] : memref<16384xf32, #tpu.memory_space<hbm>> -> memref<128xf32, #tpu.memory_space<hbm>>
      tpu.enqueue_dma source(%arg7 : memref<128xf32, #tpu.memory_space<vmem>>) target(%dma_start3A_746 : memref<128xf32, #tpu.memory_space<hbm>>) target_semaphore(%run_scoped3A : memref<!tpu.dma_semaphore, #tpu.memory_space<semaphore_mem>>)
      %dma_wait3A_747 = tpu.memref_slice %arg4[%add3A_556] : memref<16384xf32, #tpu.memory_space<hbm>> -> memref<128xf32, #tpu.memory_space<hbm>>
      %dma_wait3A_748 = tpu.memref_slice %arg4[%add3A_556] : memref<16384xf32, #tpu.memory_space<hbm>> -> memref<128xf32, #tpu.memory_space<hbm>>
      tpu.wait_dma2 semaphore(%run_scoped3A : memref<!tpu.dma_semaphore, #tpu.memory_space<semaphore_mem>>) src(%arg7 : memref<128xf32, #tpu.memory_space<vmem>>) dst(%dma_wait3A_748 : memref<128xf32, #tpu.memory_space<hbm>>)
      tpu.yield
    }) : () -> ()
    %mul3A_557 = arith.constant 102400 : i32
    %mul3A_558 = arith.muli %add3A, %mul3A_557 : i32
    %add3A_559 = arith.constant 76800 : i32
    %add3A_560 = arith.addi %mul3A_558, %add3A_559 : i32
    "tpu.region"() ({
      %run_scoped3A = tpu.sem_alloc : memref<!tpu.dma_semaphore, #tpu.memory_space<semaphore_mem>>
      %dma_start3A_745 = tpu.memref_slice %arg2[%add3A_560] : memref<3276800xi32, #tpu.memory_space<hbm>> -> memref<25600xi32, #tpu.memory_space<hbm>>
      %dma_start3A_746 = tpu.memref_slice %arg2[%add3A_560] : memref<3276800xi32, #tpu.memory_space<hbm>> -> memref<25600xi32, #tpu.memory_space<hbm>>
      tpu.enqueue_dma source(%dma_start3A_746 : memref<25600xi32, #tpu.memory_space<hbm>>) target(%arg5 : memref<25600xi32, #tpu.memory_space<vmem>>) target_semaphore(%run_scoped3A : memref<!tpu.dma_semaphore, #tpu.memory_space<semaphore_mem>>)
      %dma_wait3A_747 = tpu.memref_slice %arg2[%add3A_560] : memref<3276800xi32, #tpu.memory_space<hbm>> -> memref<25600xi32, #tpu.memory_space<hbm>>
      %dma_wait3A_748 = tpu.memref_slice %arg2[%add3A_560] : memref<3276800xi32, #tpu.memory_space<hbm>> -> memref<25600xi32, #tpu.memory_space<hbm>>
      tpu.wait_dma2 semaphore(%run_scoped3A : memref<!tpu.dma_semaphore, #tpu.memory_space<semaphore_mem>>) src(%dma_wait3A_748 : memref<25600xi32, #tpu.memory_space<hbm>>) dst(%arg5 : memref<25600xi32, #tpu.memory_space<vmem>>)
      tpu.yield
    }) : () -> ()
    %dma_start3A_561 = arith.constant 0 : i32
    %dma_start3A_562 = tpu.memref_slice %arg3[%dma_start3A_561] : memref<1007616xf32, #tpu.memory_space<hbm>> -> memref<1007616xf32, #tpu.memory_space<hbm>>
    tpu.enqueue_indirect_dma source(%dma_start3A_562 : memref<1007616xf32, #tpu.memory_space<hbm>>) target(%arg6 : memref<25600xf32, #tpu.memory_space<vmem>>) offsets(%arg5 : memref<25600xi32, #tpu.memory_space<vmem>>) semaphore(%arg8 : memref<!tpu.dma_semaphore, #tpu.memory_space<semaphore_mem>>)
    %dma_wait3A_563 = arith.constant 0 : i32
    %dma_wait3A_564 = tpu.memref_slice %arg3[%dma_wait3A_563] : memref<1007616xf32, #tpu.memory_space<hbm>> -> memref<1007616xf32, #tpu.memory_space<hbm>>
    tpu.wait_indirect_dma semaphore(%arg8 : memref<!tpu.dma_semaphore, #tpu.memory_space<semaphore_mem>>) src(%dma_wait3A_564 : memref<1007616xf32, #tpu.memory_space<hbm>>) dst(%arg6 : memref<25600xf32, #tpu.memory_space<vmem>>)
    %broadcast_in_dim3A_565 = arith.constant 0.000000e+00 : f32
    %broadcast_in_dim3A_566 = vector.broadcast %broadcast_in_dim3A_565 : f32 to vector<16xf32>
    %scan3A_567 = arith.constant 0 : i32
    %scan3A_568 = arith.constant 200 : i32
    %scan3A_569 = arith.addi %scan3A_567, %scan3A_568 : i32
    %scan3A_570 = arith.constant 1 : i32
    %scan3A_571 = scf.for %scan3A_745 = %scan3A_567 to %scan3A_569 step %scan3A_570 iter_args(%scan3A_746 = %broadcast_in_dim3A_566) -> (vector<16xf32>)  : i32 {
      %mul3A_747 = arith.constant 128 : i32
      %mul3A_748 = arith.muli %scan3A_745, %mul3A_747 : i32
      %add3A_749 = arith.constant 0 : i32
      %add3A_750 = arith.addi %mul3A_748, %add3A_749 : i32
      %get3A = arith.index_cast %add3A_750 : i32 to index
      %get3A_751 = tpu.vector_load %arg6[%get3A] {strides = array<i32>} : memref<25600xf32, #tpu.memory_space<vmem>>, vector<16xf32>,
      %get3A_752 = vector.shape_cast %get3A_751 : vector<16xf32> to vector<16xf32>
      %add3A_753 = arith.addf %scan3A_746, %get3A_752 : vector<16xf32>
      scf.yield %add3A_753 : vector<16xf32>
    }
    %scan3A_572 = arith.constant 200 : i32
    %neg3A_573 = arith.constant 0.000000e+00 : f32
    %neg3A_574 = vector.broadcast %neg3A_573 : f32 to vector<16xf32>
    %neg3A_575 = arith.subf %neg3A_574, %scan3A_571 : vector<16xf32>
    %exp3A_576 = math.exp %neg3A_575 : vector<16xf32>
    %add3A_577 = arith.constant 1.000000e+00 : f32
    %add3A_578 = vector.broadcast %add3A_577 : f32 to vector<16xf32>
    %add3A_579 = arith.addf %add3A_578, %exp3A_576 : vector<16xf32>
    %div3A_580 = arith.constant 1.000000e+00 : f32
    %div3A_581 = vector.broadcast %div3A_580 : f32 to vector<16xf32>
    %div3A_582 = arith.divf %div3A_581, %add3A_579 : vector<16xf32>
    %swap3A_583 = arith.constant 0 : index
    %swap3A_584 = tpu.vector_load %arg7[%swap3A_583] {strides = array<i32>} : memref<128xf32, #tpu.memory_space<vmem>>, vector<16xf32>,
    %swap3A_585 = vector.shape_cast %swap3A_584 : vector<16xf32> to vector<16xf32>
    %swap3A_586 = vector.shape_cast %div3A_582 : vector<16xf32> to vector<16xf32>
    tpu.vector_store %arg7[%swap3A_583], %swap3A_586 {strides = array<i32>} : memref<128xf32, #tpu.memory_space<vmem>>, vector<16xf32>,
    %broadcast_in_dim3A_587 = arith.constant 0.000000e+00 : f32
    %broadcast_in_dim3A_588 = vector.broadcast %broadcast_in_dim3A_587 : f32 to vector<16xf32>
    %scan3A_589 = arith.constant 0 : i32
    %scan3A_590 = arith.constant 200 : i32
    %scan3A_591 = arith.addi %scan3A_589, %scan3A_590 : i32
    %scan3A_592 = arith.constant 1 : i32
    %scan3A_593 = scf.for %scan3A_745 = %scan3A_589 to %scan3A_591 step %scan3A_592 iter_args(%scan3A_746 = %broadcast_in_dim3A_588) -> (vector<16xf32>)  : i32 {
      %mul3A_747 = arith.constant 128 : i32
      %mul3A_748 = arith.muli %scan3A_745, %mul3A_747 : i32
      %add3A_749 = arith.constant 16 : i32
      %add3A_750 = arith.addi %mul3A_748, %add3A_749 : i32
      %get3A = arith.index_cast %add3A_750 : i32 to index
      %get3A_751 = tpu.vector_load %arg6[%get3A] {strides = array<i32>} : memref<25600xf32, #tpu.memory_space<vmem>>, vector<16xf32>,
      %get3A_752 = vector.shape_cast %get3A_751 : vector<16xf32> to vector<16xf32>
      %add3A_753 = arith.addf %scan3A_746, %get3A_752 : vector<16xf32>
      scf.yield %add3A_753 : vector<16xf32>
    }
    %scan3A_594 = arith.constant 200 : i32
    %neg3A_595 = arith.constant 0.000000e+00 : f32
    %neg3A_596 = vector.broadcast %neg3A_595 : f32 to vector<16xf32>
    %neg3A_597 = arith.subf %neg3A_596, %scan3A_593 : vector<16xf32>
    %exp3A_598 = math.exp %neg3A_597 : vector<16xf32>
    %add3A_599 = arith.constant 1.000000e+00 : f32
    %add3A_600 = vector.broadcast %add3A_599 : f32 to vector<16xf32>
    %add3A_601 = arith.addf %add3A_600, %exp3A_598 : vector<16xf32>
    %div3A_602 = arith.constant 1.000000e+00 : f32
    %div3A_603 = vector.broadcast %div3A_602 : f32 to vector<16xf32>
    %div3A_604 = arith.divf %div3A_603, %add3A_601 : vector<16xf32>
    %swap3A_605 = arith.constant 16 : index
    %swap3A_606 = tpu.vector_load %arg7[%swap3A_605] {strides = array<i32>} : memref<128xf32, #tpu.memory_space<vmem>>, vector<16xf32>,
    %swap3A_607 = vector.shape_cast %swap3A_606 : vector<16xf32> to vector<16xf32>
    %swap3A_608 = vector.shape_cast %div3A_604 : vector<16xf32> to vector<16xf32>
    tpu.vector_store %arg7[%swap3A_605], %swap3A_608 {strides = array<i32>} : memref<128xf32, #tpu.memory_space<vmem>>, vector<16xf32>,
    %broadcast_in_dim3A_609 = arith.constant 0.000000e+00 : f32
    %broadcast_in_dim3A_610 = vector.broadcast %broadcast_in_dim3A_609 : f32 to vector<16xf32>
    %scan3A_611 = arith.constant 0 : i32
    %scan3A_612 = arith.constant 200 : i32
    %scan3A_613 = arith.addi %scan3A_611, %scan3A_612 : i32
    %scan3A_614 = arith.constant 1 : i32
    %scan3A_615 = scf.for %scan3A_745 = %scan3A_611 to %scan3A_613 step %scan3A_614 iter_args(%scan3A_746 = %broadcast_in_dim3A_610) -> (vector<16xf32>)  : i32 {
      %mul3A_747 = arith.constant 128 : i32
      %mul3A_748 = arith.muli %scan3A_745, %mul3A_747 : i32
      %add3A_749 = arith.constant 32 : i32
      %add3A_750 = arith.addi %mul3A_748, %add3A_749 : i32
      %get3A = arith.index_cast %add3A_750 : i32 to index
      %get3A_751 = tpu.vector_load %arg6[%get3A] {strides = array<i32>} : memref<25600xf32, #tpu.memory_space<vmem>>, vector<16xf32>,
      %get3A_752 = vector.shape_cast %get3A_751 : vector<16xf32> to vector<16xf32>
      %add3A_753 = arith.addf %scan3A_746, %get3A_752 : vector<16xf32>
      scf.yield %add3A_753 : vector<16xf32>
    }
    %scan3A_616 = arith.constant 200 : i32
    %neg3A_617 = arith.constant 0.000000e+00 : f32
    %neg3A_618 = vector.broadcast %neg3A_617 : f32 to vector<16xf32>
    %neg3A_619 = arith.subf %neg3A_618, %scan3A_615 : vector<16xf32>
    %exp3A_620 = math.exp %neg3A_619 : vector<16xf32>
    %add3A_621 = arith.constant 1.000000e+00 : f32
    %add3A_622 = vector.broadcast %add3A_621 : f32 to vector<16xf32>
    %add3A_623 = arith.addf %add3A_622, %exp3A_620 : vector<16xf32>
    %div3A_624 = arith.constant 1.000000e+00 : f32
    %div3A_625 = vector.broadcast %div3A_624 : f32 to vector<16xf32>
    %div3A_626 = arith.divf %div3A_625, %add3A_623 : vector<16xf32>
    %swap3A_627 = arith.constant 32 : index
    %swap3A_628 = tpu.vector_load %arg7[%swap3A_627] {strides = array<i32>} : memref<128xf32, #tpu.memory_space<vmem>>, vector<16xf32>,
    %swap3A_629 = vector.shape_cast %swap3A_628 : vector<16xf32> to vector<16xf32>
    %swap3A_630 = vector.shape_cast %div3A_626 : vector<16xf32> to vector<16xf32>
    tpu.vector_store %arg7[%swap3A_627], %swap3A_630 {strides = array<i32>} : memref<128xf32, #tpu.memory_space<vmem>>, vector<16xf32>,
    %broadcast_in_dim3A_631 = arith.constant 0.000000e+00 : f32
    %broadcast_in_dim3A_632 = vector.broadcast %broadcast_in_dim3A_631 : f32 to vector<16xf32>
    %scan3A_633 = arith.constant 0 : i32
    %scan3A_634 = arith.constant 200 : i32
    %scan3A_635 = arith.addi %scan3A_633, %scan3A_634 : i32
    %scan3A_636 = arith.constant 1 : i32
    %scan3A_637 = scf.for %scan3A_745 = %scan3A_633 to %scan3A_635 step %scan3A_636 iter_args(%scan3A_746 = %broadcast_in_dim3A_632) -> (vector<16xf32>)  : i32 {
      %mul3A_747 = arith.constant 128 : i32
      %mul3A_748 = arith.muli %scan3A_745, %mul3A_747 : i32
      %add3A_749 = arith.constant 48 : i32
      %add3A_750 = arith.addi %mul3A_748, %add3A_749 : i32
      %get3A = arith.index_cast %add3A_750 : i32 to index
      %get3A_751 = tpu.vector_load %arg6[%get3A] {strides = array<i32>} : memref<25600xf32, #tpu.memory_space<vmem>>, vector<16xf32>,
      %get3A_752 = vector.shape_cast %get3A_751 : vector<16xf32> to vector<16xf32>
      %add3A_753 = arith.addf %scan3A_746, %get3A_752 : vector<16xf32>
      scf.yield %add3A_753 : vector<16xf32>
    }
    %scan3A_638 = arith.constant 200 : i32
    %neg3A_639 = arith.constant 0.000000e+00 : f32
    %neg3A_640 = vector.broadcast %neg3A_639 : f32 to vector<16xf32>
    %neg3A_641 = arith.subf %neg3A_640, %scan3A_637 : vector<16xf32>
    %exp3A_642 = math.exp %neg3A_641 : vector<16xf32>
    %add3A_643 = arith.constant 1.000000e+00 : f32
    %add3A_644 = vector.broadcast %add3A_643 : f32 to vector<16xf32>
    %add3A_645 = arith.addf %add3A_644, %exp3A_642 : vector<16xf32>
    %div3A_646 = arith.constant 1.000000e+00 : f32
    %div3A_647 = vector.broadcast %div3A_646 : f32 to vector<16xf32>
    %div3A_648 = arith.divf %div3A_647, %add3A_645 : vector<16xf32>
    %swap3A_649 = arith.constant 48 : index
    %swap3A_650 = tpu.vector_load %arg7[%swap3A_649] {strides = array<i32>} : memref<128xf32, #tpu.memory_space<vmem>>, vector<16xf32>,
    %swap3A_651 = vector.shape_cast %swap3A_650 : vector<16xf32> to vector<16xf32>
    %swap3A_652 = vector.shape_cast %div3A_648 : vector<16xf32> to vector<16xf32>
    tpu.vector_store %arg7[%swap3A_649], %swap3A_652 {strides = array<i32>} : memref<128xf32, #tpu.memory_space<vmem>>, vector<16xf32>,
    %broadcast_in_dim3A_653 = arith.constant 0.000000e+00 : f32
    %broadcast_in_dim3A_654 = vector.broadcast %broadcast_in_dim3A_653 : f32 to vector<16xf32>
    %scan3A_655 = arith.constant 0 : i32
    %scan3A_656 = arith.constant 200 : i32
    %scan3A_657 = arith.addi %scan3A_655, %scan3A_656 : i32
    %scan3A_658 = arith.constant 1 : i32
    %scan3A_659 = scf.for %scan3A_745 = %scan3A_655 to %scan3A_657 step %scan3A_658 iter_args(%scan3A_746 = %broadcast_in_dim3A_654) -> (vector<16xf32>)  : i32 {
      %mul3A_747 = arith.constant 128 : i32
      %mul3A_748 = arith.muli %scan3A_745, %mul3A_747 : i32
      %add3A_749 = arith.constant 64 : i32
      %add3A_750 = arith.addi %mul3A_748, %add3A_749 : i32
      %get3A = arith.index_cast %add3A_750 : i32 to index
      %get3A_751 = tpu.vector_load %arg6[%get3A] {strides = array<i32>} : memref<25600xf32, #tpu.memory_space<vmem>>, vector<16xf32>,
      %get3A_752 = vector.shape_cast %get3A_751 : vector<16xf32> to vector<16xf32>
      %add3A_753 = arith.addf %scan3A_746, %get3A_752 : vector<16xf32>
      scf.yield %add3A_753 : vector<16xf32>
    }
    %scan3A_660 = arith.constant 200 : i32
    %neg3A_661 = arith.constant 0.000000e+00 : f32
    %neg3A_662 = vector.broadcast %neg3A_661 : f32 to vector<16xf32>
    %neg3A_663 = arith.subf %neg3A_662, %scan3A_659 : vector<16xf32>
    %exp3A_664 = math.exp %neg3A_663 : vector<16xf32>
    %add3A_665 = arith.constant 1.000000e+00 : f32
    %add3A_666 = vector.broadcast %add3A_665 : f32 to vector<16xf32>
    %add3A_667 = arith.addf %add3A_666, %exp3A_664 : vector<16xf32>
    %div3A_668 = arith.constant 1.000000e+00 : f32
    %div3A_669 = vector.broadcast %div3A_668 : f32 to vector<16xf32>
    %div3A_670 = arith.divf %div3A_669, %add3A_667 : vector<16xf32>
    %swap3A_671 = arith.constant 64 : index
    %swap3A_672 = tpu.vector_load %arg7[%swap3A_671] {strides = array<i32>} : memref<128xf32, #tpu.memory_space<vmem>>, vector<16xf32>,
    %swap3A_673 = vector.shape_cast %swap3A_672 : vector<16xf32> to vector<16xf32>
    %swap3A_674 = vector.shape_cast %div3A_670 : vector<16xf32> to vector<16xf32>
    tpu.vector_store %arg7[%swap3A_671], %swap3A_674 {strides = array<i32>} : memref<128xf32, #tpu.memory_space<vmem>>, vector<16xf32>,
    %broadcast_in_dim3A_675 = arith.constant 0.000000e+00 : f32
    %broadcast_in_dim3A_676 = vector.broadcast %broadcast_in_dim3A_675 : f32 to vector<16xf32>
    %scan3A_677 = arith.constant 0 : i32
    %scan3A_678 = arith.constant 200 : i32
    %scan3A_679 = arith.addi %scan3A_677, %scan3A_678 : i32
    %scan3A_680 = arith.constant 1 : i32
    %scan3A_681 = scf.for %scan3A_745 = %scan3A_677 to %scan3A_679 step %scan3A_680 iter_args(%scan3A_746 = %broadcast_in_dim3A_676) -> (vector<16xf32>)  : i32 {
      %mul3A_747 = arith.constant 128 : i32
      %mul3A_748 = arith.muli %scan3A_745, %mul3A_747 : i32
      %add3A_749 = arith.constant 80 : i32
      %add3A_750 = arith.addi %mul3A_748, %add3A_749 : i32
      %get3A = arith.index_cast %add3A_750 : i32 to index
      %get3A_751 = tpu.vector_load %arg6[%get3A] {strides = array<i32>} : memref<25600xf32, #tpu.memory_space<vmem>>, vector<16xf32>,
      %get3A_752 = vector.shape_cast %get3A_751 : vector<16xf32> to vector<16xf32>
      %add3A_753 = arith.addf %scan3A_746, %get3A_752 : vector<16xf32>
      scf.yield %add3A_753 : vector<16xf32>
    }
    %scan3A_682 = arith.constant 200 : i32
    %neg3A_683 = arith.constant 0.000000e+00 : f32
    %neg3A_684 = vector.broadcast %neg3A_683 : f32 to vector<16xf32>
    %neg3A_685 = arith.subf %neg3A_684, %scan3A_681 : vector<16xf32>
    %exp3A_686 = math.exp %neg3A_685 : vector<16xf32>
    %add3A_687 = arith.constant 1.000000e+00 : f32
    %add3A_688 = vector.broadcast %add3A_687 : f32 to vector<16xf32>
    %add3A_689 = arith.addf %add3A_688, %exp3A_686 : vector<16xf32>
    %div3A_690 = arith.constant 1.000000e+00 : f32
    %div3A_691 = vector.broadcast %div3A_690 : f32 to vector<16xf32>
    %div3A_692 = arith.divf %div3A_691, %add3A_689 : vector<16xf32>
    %swap3A_693 = arith.constant 80 : index
    %swap3A_694 = tpu.vector_load %arg7[%swap3A_693] {strides = array<i32>} : memref<128xf32, #tpu.memory_space<vmem>>, vector<16xf32>,
    %swap3A_695 = vector.shape_cast %swap3A_694 : vector<16xf32> to vector<16xf32>
    %swap3A_696 = vector.shape_cast %div3A_692 : vector<16xf32> to vector<16xf32>
    tpu.vector_store %arg7[%swap3A_693], %swap3A_696 {strides = array<i32>} : memref<128xf32, #tpu.memory_space<vmem>>, vector<16xf32>,
    %broadcast_in_dim3A_697 = arith.constant 0.000000e+00 : f32
    %broadcast_in_dim3A_698 = vector.broadcast %broadcast_in_dim3A_697 : f32 to vector<16xf32>
    %scan3A_699 = arith.constant 0 : i32
    %scan3A_700 = arith.constant 200 : i32
    %scan3A_701 = arith.addi %scan3A_699, %scan3A_700 : i32
    %scan3A_702 = arith.constant 1 : i32
    %scan3A_703 = scf.for %scan3A_745 = %scan3A_699 to %scan3A_701 step %scan3A_702 iter_args(%scan3A_746 = %broadcast_in_dim3A_698) -> (vector<16xf32>)  : i32 {
      %mul3A_747 = arith.constant 128 : i32
      %mul3A_748 = arith.muli %scan3A_745, %mul3A_747 : i32
      %add3A_749 = arith.constant 96 : i32
      %add3A_750 = arith.addi %mul3A_748, %add3A_749 : i32
      %get3A = arith.index_cast %add3A_750 : i32 to index
      %get3A_751 = tpu.vector_load %arg6[%get3A] {strides = array<i32>} : memref<25600xf32, #tpu.memory_space<vmem>>, vector<16xf32>,
      %get3A_752 = vector.shape_cast %get3A_751 : vector<16xf32> to vector<16xf32>
      %add3A_753 = arith.addf %scan3A_746, %get3A_752 : vector<16xf32>
      scf.yield %add3A_753 : vector<16xf32>
    }
    %scan3A_704 = arith.constant 200 : i32
    %neg3A_705 = arith.constant 0.000000e+00 : f32
    %neg3A_706 = vector.broadcast %neg3A_705 : f32 to vector<16xf32>
    %neg3A_707 = arith.subf %neg3A_706, %scan3A_703 : vector<16xf32>
    %exp3A_708 = math.exp %neg3A_707 : vector<16xf32>
    %add3A_709 = arith.constant 1.000000e+00 : f32
    %add3A_710 = vector.broadcast %add3A_709 : f32 to vector<16xf32>
    %add3A_711 = arith.addf %add3A_710, %exp3A_708 : vector<16xf32>
    %div3A_712 = arith.constant 1.000000e+00 : f32
    %div3A_713 = vector.broadcast %div3A_712 : f32 to vector<16xf32>
    %div3A_714 = arith.divf %div3A_713, %add3A_711 : vector<16xf32>
    %swap3A_715 = arith.constant 96 : index
    %swap3A_716 = tpu.vector_load %arg7[%swap3A_715] {strides = array<i32>} : memref<128xf32, #tpu.memory_space<vmem>>, vector<16xf32>,
    %swap3A_717 = vector.shape_cast %swap3A_716 : vector<16xf32> to vector<16xf32>
    %swap3A_718 = vector.shape_cast %div3A_714 : vector<16xf32> to vector<16xf32>
    tpu.vector_store %arg7[%swap3A_715], %swap3A_718 {strides = array<i32>} : memref<128xf32, #tpu.memory_space<vmem>>, vector<16xf32>,
    %broadcast_in_dim3A_719 = arith.constant 0.000000e+00 : f32
    %broadcast_in_dim3A_720 = vector.broadcast %broadcast_in_dim3A_719 : f32 to vector<16xf32>
    %scan3A_721 = arith.constant 0 : i32
    %scan3A_722 = arith.constant 200 : i32
    %scan3A_723 = arith.addi %scan3A_721, %scan3A_722 : i32
    %scan3A_724 = arith.constant 1 : i32
    %scan3A_725 = scf.for %scan3A_745 = %scan3A_721 to %scan3A_723 step %scan3A_724 iter_args(%scan3A_746 = %broadcast_in_dim3A_720) -> (vector<16xf32>)  : i32 {
      %mul3A_747 = arith.constant 128 : i32
      %mul3A_748 = arith.muli %scan3A_745, %mul3A_747 : i32
      %add3A_749 = arith.constant 112 : i32
      %add3A_750 = arith.addi %mul3A_748, %add3A_749 : i32
      %get3A = arith.index_cast %add3A_750 : i32 to index
      %get3A_751 = tpu.vector_load %arg6[%get3A] {strides = array<i32>} : memref<25600xf32, #tpu.memory_space<vmem>>, vector<16xf32>,
      %get3A_752 = vector.shape_cast %get3A_751 : vector<16xf32> to vector<16xf32>
      %add3A_753 = arith.addf %scan3A_746, %get3A_752 : vector<16xf32>
      scf.yield %add3A_753 : vector<16xf32>
    }
    %scan3A_726 = arith.constant 200 : i32
    %neg3A_727 = arith.constant 0.000000e+00 : f32
    %neg3A_728 = vector.broadcast %neg3A_727 : f32 to vector<16xf32>
    %neg3A_729 = arith.subf %neg3A_728, %scan3A_725 : vector<16xf32>
    %exp3A_730 = math.exp %neg3A_729 : vector<16xf32>
    %add3A_731 = arith.constant 1.000000e+00 : f32
    %add3A_732 = vector.broadcast %add3A_731 : f32 to vector<16xf32>
    %add3A_733 = arith.addf %add3A_732, %exp3A_730 : vector<16xf32>
    %div3A_734 = arith.constant 1.000000e+00 : f32
    %div3A_735 = vector.broadcast %div3A_734 : f32 to vector<16xf32>
    %div3A_736 = arith.divf %div3A_735, %add3A_733 : vector<16xf32>
    %swap3A_737 = arith.constant 112 : index
    %swap3A_738 = tpu.vector_load %arg7[%swap3A_737] {strides = array<i32>} : memref<128xf32, #tpu.memory_space<vmem>>, vector<16xf32>,
    %swap3A_739 = vector.shape_cast %swap3A_738 : vector<16xf32> to vector<16xf32>
    %swap3A_740 = vector.shape_cast %div3A_736 : vector<16xf32> to vector<16xf32>
    tpu.vector_store %arg7[%swap3A_737], %swap3A_740 {strides = array<i32>} : memref<128xf32, #tpu.memory_space<vmem>>, vector<16xf32>,
    %mul3A_741 = arith.constant 512 : i32
    %mul3A_742 = arith.muli %add3A, %mul3A_741 : i32
    %add3A_743 = arith.constant 384 : i32
    %add3A_744 = arith.addi %mul3A_742, %add3A_743 : i32
    "tpu.region"() ({
      %run_scoped3A = tpu.sem_alloc : memref<!tpu.dma_semaphore, #tpu.memory_space<semaphore_mem>>
      %dma_start3A_745 = tpu.memref_slice %arg4[%add3A_744] : memref<16384xf32, #tpu.memory_space<hbm>> -> memref<128xf32, #tpu.memory_space<hbm>>
      %dma_start3A_746 = tpu.memref_slice %arg4[%add3A_744] : memref<16384xf32, #tpu.memory_space<hbm>> -> memref<128xf32, #tpu.memory_space<hbm>>
      tpu.enqueue_dma source(%arg7 : memref<128xf32, #tpu.memory_space<vmem>>) target(%dma_start3A_746 : memref<128xf32, #tpu.memory_space<hbm>>) target_semaphore(%run_scoped3A : memref<!tpu.dma_semaphore, #tpu.memory_space<semaphore_mem>>)
      %dma_wait3A_747 = tpu.memref_slice %arg4[%add3A_744] : memref<16384xf32, #tpu.memory_space<hbm>> -> memref<128xf32, #tpu.memory_space<hbm>>
      %dma_wait3A_748 = tpu.memref_slice %arg4[%add3A_744] : memref<16384xf32, #tpu.memory_space<hbm>> -> memref<128xf32, #tpu.memory_space<hbm>>
      tpu.wait_dma2 semaphore(%run_scoped3A : memref<!tpu.dma_semaphore, #tpu.memory_space<semaphore_mem>>) src(%arg7 : memref<128xf32, #tpu.memory_space<vmem>>) dst(%dma_wait3A_748 : memref<128xf32, #tpu.memory_space<hbm>>)
      tpu.yield
    }) : () -> ()
    return
  }
}

module attributes {stable_mosaic.version = 14 : i64} {
  func.func @_tr_body(%arg0: i32, %arg1: memref<1024x200xi32, #tpu.memory_space<vmem>>, %arg2: memref<1600x128xi32, #tpu.memory_space<vmem>>) attributes {dimension_semantics = [#tpu.dimension_semantics<arbitrary>], iteration_bounds = array<i64: 16>, scalar_prefetch = 0 : i64, scratch_operands = 0 : i64, tpu.core_type = #tpu.core_type<tc>, window_params = [{transform_indices = @transform_0, window_bounds = array<i64: 1024, 200>}, {transform_indices = @transform_1, window_bounds = array<i64: 1600, 128>}]} {
    %get3A = arith.constant 0 : index
    %get3A_0 = arith.constant 0 : index
    %get3A_1 = vector.load %arg1[%get3A, %get3A_0] : memref<1024x200xi32, #tpu.memory_space<vmem>>, vector<128x200xi32>
    %transpose3A = tpu.transpose %get3A_1, [1, 0] : vector<128x200xi32> -> vector<200x128xi32>
    %shift_right_arithmetic3A = arith.constant 9 : i32
    %shift_right_arithmetic3A_2 = vector.broadcast %shift_right_arithmetic3A : i32 to vector<200x128xi32>
    %shift_right_arithmetic3A_3 = arith.shrsi %transpose3A, %shift_right_arithmetic3A_2 : vector<200x128xi32>
    %shift_left3A = arith.constant 9 : i32
    %shift_left3A_4 = vector.broadcast %shift_left3A : i32 to vector<200x128xi32>
    %shift_left3A_5 = arith.shli %shift_right_arithmetic3A_3, %shift_left3A_4 : vector<200x128xi32>
    %and3A = arith.constant 3 : i32
    %and3A_6 = vector.broadcast %and3A : i32 to vector<200x128xi32>
    %and3A_7 = arith.andi %transpose3A, %and3A_6 : vector<200x128xi32>
    %shift_left3A_8 = arith.constant 7 : i32
    %shift_left3A_9 = vector.broadcast %shift_left3A_8 : i32 to vector<200x128xi32>
    %shift_left3A_10 = arith.shli %and3A_7, %shift_left3A_9 : vector<200x128xi32>
    %or3A = arith.ori %shift_left3A_5, %shift_left3A_10 : vector<200x128xi32>
    %shift_right_arithmetic3A_11 = arith.constant 2 : i32
    %shift_right_arithmetic3A_12 = vector.broadcast %shift_right_arithmetic3A_11 : i32 to vector<200x128xi32>
    %shift_right_arithmetic3A_13 = arith.shrsi %transpose3A, %shift_right_arithmetic3A_12 : vector<200x128xi32>
    %and3A_14 = arith.constant 127 : i32
    %and3A_15 = vector.broadcast %and3A_14 : i32 to vector<200x128xi32>
    %and3A_16 = arith.andi %shift_right_arithmetic3A_13, %and3A_15 : vector<200x128xi32>
    %or3A_17 = arith.ori %or3A, %and3A_16 : vector<200x128xi32>
    %swap3A = arith.constant 0 : index
    %swap3A_18 = arith.constant 0 : index
    %swap3A_19 = vector.load %arg2[%swap3A, %swap3A_18] : memref<1600x128xi32, #tpu.memory_space<vmem>>, vector<200x128xi32>
    tpu.vector_store %arg2[%swap3A, %swap3A_18], %or3A_17 {strides = array<i32>} : memref<1600x128xi32, #tpu.memory_space<vmem>>, vector<200x128xi32>,
    %get3A_20 = arith.constant 128 : index
    %get3A_21 = arith.constant 0 : index
    %get3A_22 = vector.load %arg1[%get3A_20, %get3A_21] : memref<1024x200xi32, #tpu.memory_space<vmem>>, vector<128x200xi32>
    %transpose3A_23 = tpu.transpose %get3A_22, [1, 0] : vector<128x200xi32> -> vector<200x128xi32>
    %shift_right_arithmetic3A_24 = arith.constant 9 : i32
    %shift_right_arithmetic3A_25 = vector.broadcast %shift_right_arithmetic3A_24 : i32 to vector<200x128xi32>
    %shift_right_arithmetic3A_26 = arith.shrsi %transpose3A_23, %shift_right_arithmetic3A_25 : vector<200x128xi32>
    %shift_left3A_27 = arith.constant 9 : i32
    %shift_left3A_28 = vector.broadcast %shift_left3A_27 : i32 to vector<200x128xi32>
    %shift_left3A_29 = arith.shli %shift_right_arithmetic3A_26, %shift_left3A_28 : vector<200x128xi32>
    %and3A_30 = arith.constant 3 : i32
    %and3A_31 = vector.broadcast %and3A_30 : i32 to vector<200x128xi32>
    %and3A_32 = arith.andi %transpose3A_23, %and3A_31 : vector<200x128xi32>
    %shift_left3A_33 = arith.constant 7 : i32
    %shift_left3A_34 = vector.broadcast %shift_left3A_33 : i32 to vector<200x128xi32>
    %shift_left3A_35 = arith.shli %and3A_32, %shift_left3A_34 : vector<200x128xi32>
    %or3A_36 = arith.ori %shift_left3A_29, %shift_left3A_35 : vector<200x128xi32>
    %shift_right_arithmetic3A_37 = arith.constant 2 : i32
    %shift_right_arithmetic3A_38 = vector.broadcast %shift_right_arithmetic3A_37 : i32 to vector<200x128xi32>
    %shift_right_arithmetic3A_39 = arith.shrsi %transpose3A_23, %shift_right_arithmetic3A_38 : vector<200x128xi32>
    %and3A_40 = arith.constant 127 : i32
    %and3A_41 = vector.broadcast %and3A_40 : i32 to vector<200x128xi32>
    %and3A_42 = arith.andi %shift_right_arithmetic3A_39, %and3A_41 : vector<200x128xi32>
    %or3A_43 = arith.ori %or3A_36, %and3A_42 : vector<200x128xi32>
    %swap3A_44 = arith.constant 200 : index
    %swap3A_45 = arith.constant 0 : index
    %swap3A_46 = vector.load %arg2[%swap3A_44, %swap3A_45] : memref<1600x128xi32, #tpu.memory_space<vmem>>, vector<200x128xi32>
    tpu.vector_store %arg2[%swap3A_44, %swap3A_45], %or3A_43 {strides = array<i32>} : memref<1600x128xi32, #tpu.memory_space<vmem>>, vector<200x128xi32>,
    %get3A_47 = arith.constant 256 : index
    %get3A_48 = arith.constant 0 : index
    %get3A_49 = vector.load %arg1[%get3A_47, %get3A_48] : memref<1024x200xi32, #tpu.memory_space<vmem>>, vector<128x200xi32>
    %transpose3A_50 = tpu.transpose %get3A_49, [1, 0] : vector<128x200xi32> -> vector<200x128xi32>
    %shift_right_arithmetic3A_51 = arith.constant 9 : i32
    %shift_right_arithmetic3A_52 = vector.broadcast %shift_right_arithmetic3A_51 : i32 to vector<200x128xi32>
    %shift_right_arithmetic3A_53 = arith.shrsi %transpose3A_50, %shift_right_arithmetic3A_52 : vector<200x128xi32>
    %shift_left3A_54 = arith.constant 9 : i32
    %shift_left3A_55 = vector.broadcast %shift_left3A_54 : i32 to vector<200x128xi32>
    %shift_left3A_56 = arith.shli %shift_right_arithmetic3A_53, %shift_left3A_55 : vector<200x128xi32>
    %and3A_57 = arith.constant 3 : i32
    %and3A_58 = vector.broadcast %and3A_57 : i32 to vector<200x128xi32>
    %and3A_59 = arith.andi %transpose3A_50, %and3A_58 : vector<200x128xi32>
    %shift_left3A_60 = arith.constant 7 : i32
    %shift_left3A_61 = vector.broadcast %shift_left3A_60 : i32 to vector<200x128xi32>
    %shift_left3A_62 = arith.shli %and3A_59, %shift_left3A_61 : vector<200x128xi32>
    %or3A_63 = arith.ori %shift_left3A_56, %shift_left3A_62 : vector<200x128xi32>
    %shift_right_arithmetic3A_64 = arith.constant 2 : i32
    %shift_right_arithmetic3A_65 = vector.broadcast %shift_right_arithmetic3A_64 : i32 to vector<200x128xi32>
    %shift_right_arithmetic3A_66 = arith.shrsi %transpose3A_50, %shift_right_arithmetic3A_65 : vector<200x128xi32>
    %and3A_67 = arith.constant 127 : i32
    %and3A_68 = vector.broadcast %and3A_67 : i32 to vector<200x128xi32>
    %and3A_69 = arith.andi %shift_right_arithmetic3A_66, %and3A_68 : vector<200x128xi32>
    %or3A_70 = arith.ori %or3A_63, %and3A_69 : vector<200x128xi32>
    %swap3A_71 = arith.constant 400 : index
    %swap3A_72 = arith.constant 0 : index
    %swap3A_73 = vector.load %arg2[%swap3A_71, %swap3A_72] : memref<1600x128xi32, #tpu.memory_space<vmem>>, vector<200x128xi32>
    tpu.vector_store %arg2[%swap3A_71, %swap3A_72], %or3A_70 {strides = array<i32>} : memref<1600x128xi32, #tpu.memory_space<vmem>>, vector<200x128xi32>,
    %get3A_74 = arith.constant 384 : index
    %get3A_75 = arith.constant 0 : index
    %get3A_76 = vector.load %arg1[%get3A_74, %get3A_75] : memref<1024x200xi32, #tpu.memory_space<vmem>>, vector<128x200xi32>
    %transpose3A_77 = tpu.transpose %get3A_76, [1, 0] : vector<128x200xi32> -> vector<200x128xi32>
    %shift_right_arithmetic3A_78 = arith.constant 9 : i32
    %shift_right_arithmetic3A_79 = vector.broadcast %shift_right_arithmetic3A_78 : i32 to vector<200x128xi32>
    %shift_right_arithmetic3A_80 = arith.shrsi %transpose3A_77, %shift_right_arithmetic3A_79 : vector<200x128xi32>
    %shift_left3A_81 = arith.constant 9 : i32
    %shift_left3A_82 = vector.broadcast %shift_left3A_81 : i32 to vector<200x128xi32>
    %shift_left3A_83 = arith.shli %shift_right_arithmetic3A_80, %shift_left3A_82 : vector<200x128xi32>
    %and3A_84 = arith.constant 3 : i32
    %and3A_85 = vector.broadcast %and3A_84 : i32 to vector<200x128xi32>
    %and3A_86 = arith.andi %transpose3A_77, %and3A_85 : vector<200x128xi32>
    %shift_left3A_87 = arith.constant 7 : i32
    %shift_left3A_88 = vector.broadcast %shift_left3A_87 : i32 to vector<200x128xi32>
    %shift_left3A_89 = arith.shli %and3A_86, %shift_left3A_88 : vector<200x128xi32>
    %or3A_90 = arith.ori %shift_left3A_83, %shift_left3A_89 : vector<200x128xi32>
    %shift_right_arithmetic3A_91 = arith.constant 2 : i32
    %shift_right_arithmetic3A_92 = vector.broadcast %shift_right_arithmetic3A_91 : i32 to vector<200x128xi32>
    %shift_right_arithmetic3A_93 = arith.shrsi %transpose3A_77, %shift_right_arithmetic3A_92 : vector<200x128xi32>
    %and3A_94 = arith.constant 127 : i32
    %and3A_95 = vector.broadcast %and3A_94 : i32 to vector<200x128xi32>
    %and3A_96 = arith.andi %shift_right_arithmetic3A_93, %and3A_95 : vector<200x128xi32>
    %or3A_97 = arith.ori %or3A_90, %and3A_96 : vector<200x128xi32>
    %swap3A_98 = arith.constant 600 : index
    %swap3A_99 = arith.constant 0 : index
    %swap3A_100 = vector.load %arg2[%swap3A_98, %swap3A_99] : memref<1600x128xi32, #tpu.memory_space<vmem>>, vector<200x128xi32>
    tpu.vector_store %arg2[%swap3A_98, %swap3A_99], %or3A_97 {strides = array<i32>} : memref<1600x128xi32, #tpu.memory_space<vmem>>, vector<200x128xi32>,
    %get3A_101 = arith.constant 512 : index
    %get3A_102 = arith.constant 0 : index
    %get3A_103 = vector.load %arg1[%get3A_101, %get3A_102] : memref<1024x200xi32, #tpu.memory_space<vmem>>, vector<128x200xi32>
    %transpose3A_104 = tpu.transpose %get3A_103, [1, 0] : vector<128x200xi32> -> vector<200x128xi32>
    %shift_right_arithmetic3A_105 = arith.constant 9 : i32
    %shift_right_arithmetic3A_106 = vector.broadcast %shift_right_arithmetic3A_105 : i32 to vector<200x128xi32>
    %shift_right_arithmetic3A_107 = arith.shrsi %transpose3A_104, %shift_right_arithmetic3A_106 : vector<200x128xi32>
    %shift_left3A_108 = arith.constant 9 : i32
    %shift_left3A_109 = vector.broadcast %shift_left3A_108 : i32 to vector<200x128xi32>
    %shift_left3A_110 = arith.shli %shift_right_arithmetic3A_107, %shift_left3A_109 : vector<200x128xi32>
    %and3A_111 = arith.constant 3 : i32
    %and3A_112 = vector.broadcast %and3A_111 : i32 to vector<200x128xi32>
    %and3A_113 = arith.andi %transpose3A_104, %and3A_112 : vector<200x128xi32>
    %shift_left3A_114 = arith.constant 7 : i32
    %shift_left3A_115 = vector.broadcast %shift_left3A_114 : i32 to vector<200x128xi32>
    %shift_left3A_116 = arith.shli %and3A_113, %shift_left3A_115 : vector<200x128xi32>
    %or3A_117 = arith.ori %shift_left3A_110, %shift_left3A_116 : vector<200x128xi32>
    %shift_right_arithmetic3A_118 = arith.constant 2 : i32
    %shift_right_arithmetic3A_119 = vector.broadcast %shift_right_arithmetic3A_118 : i32 to vector<200x128xi32>
    %shift_right_arithmetic3A_120 = arith.shrsi %transpose3A_104, %shift_right_arithmetic3A_119 : vector<200x128xi32>
    %and3A_121 = arith.constant 127 : i32
    %and3A_122 = vector.broadcast %and3A_121 : i32 to vector<200x128xi32>
    %and3A_123 = arith.andi %shift_right_arithmetic3A_120, %and3A_122 : vector<200x128xi32>
    %or3A_124 = arith.ori %or3A_117, %and3A_123 : vector<200x128xi32>
    %swap3A_125 = arith.constant 800 : index
    %swap3A_126 = arith.constant 0 : index
    %swap3A_127 = vector.load %arg2[%swap3A_125, %swap3A_126] : memref<1600x128xi32, #tpu.memory_space<vmem>>, vector<200x128xi32>
    tpu.vector_store %arg2[%swap3A_125, %swap3A_126], %or3A_124 {strides = array<i32>} : memref<1600x128xi32, #tpu.memory_space<vmem>>, vector<200x128xi32>,
    %get3A_128 = arith.constant 640 : index
    %get3A_129 = arith.constant 0 : index
    %get3A_130 = vector.load %arg1[%get3A_128, %get3A_129] : memref<1024x200xi32, #tpu.memory_space<vmem>>, vector<128x200xi32>
    %transpose3A_131 = tpu.transpose %get3A_130, [1, 0] : vector<128x200xi32> -> vector<200x128xi32>
    %shift_right_arithmetic3A_132 = arith.constant 9 : i32
    %shift_right_arithmetic3A_133 = vector.broadcast %shift_right_arithmetic3A_132 : i32 to vector<200x128xi32>
    %shift_right_arithmetic3A_134 = arith.shrsi %transpose3A_131, %shift_right_arithmetic3A_133 : vector<200x128xi32>
    %shift_left3A_135 = arith.constant 9 : i32
    %shift_left3A_136 = vector.broadcast %shift_left3A_135 : i32 to vector<200x128xi32>
    %shift_left3A_137 = arith.shli %shift_right_arithmetic3A_134, %shift_left3A_136 : vector<200x128xi32>
    %and3A_138 = arith.constant 3 : i32
    %and3A_139 = vector.broadcast %and3A_138 : i32 to vector<200x128xi32>
    %and3A_140 = arith.andi %transpose3A_131, %and3A_139 : vector<200x128xi32>
    %shift_left3A_141 = arith.constant 7 : i32
    %shift_left3A_142 = vector.broadcast %shift_left3A_141 : i32 to vector<200x128xi32>
    %shift_left3A_143 = arith.shli %and3A_140, %shift_left3A_142 : vector<200x128xi32>
    %or3A_144 = arith.ori %shift_left3A_137, %shift_left3A_143 : vector<200x128xi32>
    %shift_right_arithmetic3A_145 = arith.constant 2 : i32
    %shift_right_arithmetic3A_146 = vector.broadcast %shift_right_arithmetic3A_145 : i32 to vector<200x128xi32>
    %shift_right_arithmetic3A_147 = arith.shrsi %transpose3A_131, %shift_right_arithmetic3A_146 : vector<200x128xi32>
    %and3A_148 = arith.constant 127 : i32
    %and3A_149 = vector.broadcast %and3A_148 : i32 to vector<200x128xi32>
    %and3A_150 = arith.andi %shift_right_arithmetic3A_147, %and3A_149 : vector<200x128xi32>
    %or3A_151 = arith.ori %or3A_144, %and3A_150 : vector<200x128xi32>
    %swap3A_152 = arith.constant 1000 : index
    %swap3A_153 = arith.constant 0 : index
    %swap3A_154 = vector.load %arg2[%swap3A_152, %swap3A_153] : memref<1600x128xi32, #tpu.memory_space<vmem>>, vector<200x128xi32>
    tpu.vector_store %arg2[%swap3A_152, %swap3A_153], %or3A_151 {strides = array<i32>} : memref<1600x128xi32, #tpu.memory_space<vmem>>, vector<200x128xi32>,
    %get3A_155 = arith.constant 768 : index
    %get3A_156 = arith.constant 0 : index
    %get3A_157 = vector.load %arg1[%get3A_155, %get3A_156] : memref<1024x200xi32, #tpu.memory_space<vmem>>, vector<128x200xi32>
    %transpose3A_158 = tpu.transpose %get3A_157, [1, 0] : vector<128x200xi32> -> vector<200x128xi32>
    %shift_right_arithmetic3A_159 = arith.constant 9 : i32
    %shift_right_arithmetic3A_160 = vector.broadcast %shift_right_arithmetic3A_159 : i32 to vector<200x128xi32>
    %shift_right_arithmetic3A_161 = arith.shrsi %transpose3A_158, %shift_right_arithmetic3A_160 : vector<200x128xi32>
    %shift_left3A_162 = arith.constant 9 : i32
    %shift_left3A_163 = vector.broadcast %shift_left3A_162 : i32 to vector<200x128xi32>
    %shift_left3A_164 = arith.shli %shift_right_arithmetic3A_161, %shift_left3A_163 : vector<200x128xi32>
    %and3A_165 = arith.constant 3 : i32
    %and3A_166 = vector.broadcast %and3A_165 : i32 to vector<200x128xi32>
    %and3A_167 = arith.andi %transpose3A_158, %and3A_166 : vector<200x128xi32>
    %shift_left3A_168 = arith.constant 7 : i32
    %shift_left3A_169 = vector.broadcast %shift_left3A_168 : i32 to vector<200x128xi32>
    %shift_left3A_170 = arith.shli %and3A_167, %shift_left3A_169 : vector<200x128xi32>
    %or3A_171 = arith.ori %shift_left3A_164, %shift_left3A_170 : vector<200x128xi32>
    %shift_right_arithmetic3A_172 = arith.constant 2 : i32
    %shift_right_arithmetic3A_173 = vector.broadcast %shift_right_arithmetic3A_172 : i32 to vector<200x128xi32>
    %shift_right_arithmetic3A_174 = arith.shrsi %transpose3A_158, %shift_right_arithmetic3A_173 : vector<200x128xi32>
    %and3A_175 = arith.constant 127 : i32
    %and3A_176 = vector.broadcast %and3A_175 : i32 to vector<200x128xi32>
    %and3A_177 = arith.andi %shift_right_arithmetic3A_174, %and3A_176 : vector<200x128xi32>
    %or3A_178 = arith.ori %or3A_171, %and3A_177 : vector<200x128xi32>
    %swap3A_179 = arith.constant 1200 : index
    %swap3A_180 = arith.constant 0 : index
    %swap3A_181 = vector.load %arg2[%swap3A_179, %swap3A_180] : memref<1600x128xi32, #tpu.memory_space<vmem>>, vector<200x128xi32>
    tpu.vector_store %arg2[%swap3A_179, %swap3A_180], %or3A_178 {strides = array<i32>} : memref<1600x128xi32, #tpu.memory_space<vmem>>, vector<200x128xi32>,
    %get3A_182 = arith.constant 896 : index
    %get3A_183 = arith.constant 0 : index
    %get3A_184 = vector.load %arg1[%get3A_182, %get3A_183] : memref<1024x200xi32, #tpu.memory_space<vmem>>, vector<128x200xi32>
    %transpose3A_185 = tpu.transpose %get3A_184, [1, 0] : vector<128x200xi32> -> vector<200x128xi32>
    %shift_right_arithmetic3A_186 = arith.constant 9 : i32
    %shift_right_arithmetic3A_187 = vector.broadcast %shift_right_arithmetic3A_186 : i32 to vector<200x128xi32>
    %shift_right_arithmetic3A_188 = arith.shrsi %transpose3A_185, %shift_right_arithmetic3A_187 : vector<200x128xi32>
    %shift_left3A_189 = arith.constant 9 : i32
    %shift_left3A_190 = vector.broadcast %shift_left3A_189 : i32 to vector<200x128xi32>
    %shift_left3A_191 = arith.shli %shift_right_arithmetic3A_188, %shift_left3A_190 : vector<200x128xi32>
    %and3A_192 = arith.constant 3 : i32
    %and3A_193 = vector.broadcast %and3A_192 : i32 to vector<200x128xi32>
    %and3A_194 = arith.andi %transpose3A_185, %and3A_193 : vector<200x128xi32>
    %shift_left3A_195 = arith.constant 7 : i32
    %shift_left3A_196 = vector.broadcast %shift_left3A_195 : i32 to vector<200x128xi32>
    %shift_left3A_197 = arith.shli %and3A_194, %shift_left3A_196 : vector<200x128xi32>
    %or3A_198 = arith.ori %shift_left3A_191, %shift_left3A_197 : vector<200x128xi32>
    %shift_right_arithmetic3A_199 = arith.constant 2 : i32
    %shift_right_arithmetic3A_200 = vector.broadcast %shift_right_arithmetic3A_199 : i32 to vector<200x128xi32>
    %shift_right_arithmetic3A_201 = arith.shrsi %transpose3A_185, %shift_right_arithmetic3A_200 : vector<200x128xi32>
    %and3A_202 = arith.constant 127 : i32
    %and3A_203 = vector.broadcast %and3A_202 : i32 to vector<200x128xi32>
    %and3A_204 = arith.andi %shift_right_arithmetic3A_201, %and3A_203 : vector<200x128xi32>
    %or3A_205 = arith.ori %or3A_198, %and3A_204 : vector<200x128xi32>
    %swap3A_206 = arith.constant 1400 : index
    %swap3A_207 = arith.constant 0 : index
    %swap3A_208 = vector.load %arg2[%swap3A_206, %swap3A_207] : memref<1600x128xi32, #tpu.memory_space<vmem>>, vector<200x128xi32>
    tpu.vector_store %arg2[%swap3A_206, %swap3A_207], %or3A_205 {strides = array<i32>} : memref<1600x128xi32, #tpu.memory_space<vmem>>, vector<200x128xi32>,
    return
  }
  func.func @transform_0(%arg0: i32) -> (i32, i32) {
    %c0_i32 = arith.constant 0 : i32
    %c0_i32_0 = arith.constant 0 : i32
    return %arg0, %c0_i32 : i32, i32
  }
  func.func @transform_1(%arg0: i32) -> (i32, i32) {
    %c0_i32 = arith.constant 0 : i32
    %c0_i32_0 = arith.constant 0 : i32
    return %arg0, %c0_i32 : i32, i32
  }
}

module attributes {stable_mosaic.version = 14 : i64} {
  func.func @_tv_body(%arg0: i32, %arg1: memref<2048x128xf32, #tpu.memory_space<vmem>>, %arg2: memref<128x4xf32, #tpu.memory_space<vmem>>, %arg3: memref<1xf32, #tpu.memory_space<smem>>, %arg4: memref<64x128xf32, #tpu.memory_space<vmem>>) attributes {dimension_semantics = [#tpu.dimension_semantics<arbitrary>], iteration_bounds = array<i64: 123>, scalar_prefetch = 0 : i64, scratch_operands = 0 : i64, tpu.core_type = #tpu.core_type<tc>, window_params = [{transform_indices = @transform_0, window_bounds = array<i64: 2048, 128>}, {pipeline_mode = #tpu.pipeline_mode<synchronous>, transform_indices = @transform_1, window_bounds = array<i64: 128, 4>}, {transform_indices = @transform_2, window_bounds = array<i64: 1>}, {transform_indices = @transform_3, window_bounds = array<i64: 64, 128>}]} {
    %get3A = arith.constant 0 : index
    %get3A_0 = arith.constant 0 : index
    %get3A_1 = vector.load %arg1[%get3A, %get3A_0] : memref<2048x128xf32, #tpu.memory_space<vmem>>, vector<2048x128xf32>
    %get3A_2 = arith.constant 0 : index
    %get3A_3 = arith.constant 0 : index
    %get3A_4 = vector.load %arg2[%get3A_2, %get3A_3] : memref<128x4xf32, #tpu.memory_space<vmem>>, vector<128x4xf32>
    %dot_general3A = arith.constant dense<0.000000e+00> : vector<2048x4xf32>
    %dot_general3A_5 = tpu.matmul %get3A_1, %get3A_4, %dot_general3A {dimension_numbers = #tpu.dot_dimension_numbers<[1], [0], [0], [1], [0, 0, 1, 1], [], []>, transpose_lhs_hint = false} : vector<2048x128xf32>, vector<128x4xf32>, vector<2048x4xf32> -> vector<2048x4xf32>
    %get3A_6 = arith.constant 0 : index
    %get3A_7 = memref.load %arg3[%get3A_6] : memref<1xf32, #tpu.memory_space<smem>>
    %add3A = vector.broadcast %get3A_7 : f32 to vector<2048x4xf32>
    %add3A_8 = arith.addf %dot_general3A_5, %add3A : vector<2048x4xf32>
    %slice3A = vector.extract_strided_slice %add3A_8 {offsets = [0, 0], sizes = [128, 4], strides = [1, 1]} : vector<2048x4xf32> to vector<128x4xf32>
    %transpose3A = tpu.transpose %slice3A, [1, 0] : vector<128x4xf32> -> vector<4x128xf32>
    %swap3A = arith.constant 0 : index
    %swap3A_9 = arith.constant 0 : index
    %swap3A_10 = vector.load %arg4[%swap3A, %swap3A_9] : memref<64x128xf32, #tpu.memory_space<vmem>>, vector<4x128xf32>
    tpu.vector_store %arg4[%swap3A, %swap3A_9], %transpose3A {strides = array<i32>} : memref<64x128xf32, #tpu.memory_space<vmem>>, vector<4x128xf32>,
    %slice3A_11 = vector.extract_strided_slice %add3A_8 {offsets = [128, 0], sizes = [128, 4], strides = [1, 1]} : vector<2048x4xf32> to vector<128x4xf32>
    %transpose3A_12 = tpu.transpose %slice3A_11, [1, 0] : vector<128x4xf32> -> vector<4x128xf32>
    %swap3A_13 = arith.constant 4 : index
    %swap3A_14 = arith.constant 0 : index
    %swap3A_15 = vector.load %arg4[%swap3A_13, %swap3A_14] : memref<64x128xf32, #tpu.memory_space<vmem>>, vector<4x128xf32>
    tpu.vector_store %arg4[%swap3A_13, %swap3A_14], %transpose3A_12 {strides = array<i32>} : memref<64x128xf32, #tpu.memory_space<vmem>>, vector<4x128xf32>,
    %slice3A_16 = vector.extract_strided_slice %add3A_8 {offsets = [256, 0], sizes = [128, 4], strides = [1, 1]} : vector<2048x4xf32> to vector<128x4xf32>
    %transpose3A_17 = tpu.transpose %slice3A_16, [1, 0] : vector<128x4xf32> -> vector<4x128xf32>
    %swap3A_18 = arith.constant 8 : index
    %swap3A_19 = arith.constant 0 : index
    %swap3A_20 = vector.load %arg4[%swap3A_18, %swap3A_19] : memref<64x128xf32, #tpu.memory_space<vmem>>, vector<4x128xf32>
    tpu.vector_store %arg4[%swap3A_18, %swap3A_19], %transpose3A_17 {strides = array<i32>} : memref<64x128xf32, #tpu.memory_space<vmem>>, vector<4x128xf32>,
    %slice3A_21 = vector.extract_strided_slice %add3A_8 {offsets = [384, 0], sizes = [128, 4], strides = [1, 1]} : vector<2048x4xf32> to vector<128x4xf32>
    %transpose3A_22 = tpu.transpose %slice3A_21, [1, 0] : vector<128x4xf32> -> vector<4x128xf32>
    %swap3A_23 = arith.constant 12 : index
    %swap3A_24 = arith.constant 0 : index
    %swap3A_25 = vector.load %arg4[%swap3A_23, %swap3A_24] : memref<64x128xf32, #tpu.memory_space<vmem>>, vector<4x128xf32>
    tpu.vector_store %arg4[%swap3A_23, %swap3A_24], %transpose3A_22 {strides = array<i32>} : memref<64x128xf32, #tpu.memory_space<vmem>>, vector<4x128xf32>,
    %slice3A_26 = vector.extract_strided_slice %add3A_8 {offsets = [512, 0], sizes = [128, 4], strides = [1, 1]} : vector<2048x4xf32> to vector<128x4xf32>
    %transpose3A_27 = tpu.transpose %slice3A_26, [1, 0] : vector<128x4xf32> -> vector<4x128xf32>
    %swap3A_28 = arith.constant 16 : index
    %swap3A_29 = arith.constant 0 : index
    %swap3A_30 = vector.load %arg4[%swap3A_28, %swap3A_29] : memref<64x128xf32, #tpu.memory_space<vmem>>, vector<4x128xf32>
    tpu.vector_store %arg4[%swap3A_28, %swap3A_29], %transpose3A_27 {strides = array<i32>} : memref<64x128xf32, #tpu.memory_space<vmem>>, vector<4x128xf32>,
    %slice3A_31 = vector.extract_strided_slice %add3A_8 {offsets = [640, 0], sizes = [128, 4], strides = [1, 1]} : vector<2048x4xf32> to vector<128x4xf32>
    %transpose3A_32 = tpu.transpose %slice3A_31, [1, 0] : vector<128x4xf32> -> vector<4x128xf32>
    %swap3A_33 = arith.constant 20 : index
    %swap3A_34 = arith.constant 0 : index
    %swap3A_35 = vector.load %arg4[%swap3A_33, %swap3A_34] : memref<64x128xf32, #tpu.memory_space<vmem>>, vector<4x128xf32>
    tpu.vector_store %arg4[%swap3A_33, %swap3A_34], %transpose3A_32 {strides = array<i32>} : memref<64x128xf32, #tpu.memory_space<vmem>>, vector<4x128xf32>,
    %slice3A_36 = vector.extract_strided_slice %add3A_8 {offsets = [768, 0], sizes = [128, 4], strides = [1, 1]} : vector<2048x4xf32> to vector<128x4xf32>
    %transpose3A_37 = tpu.transpose %slice3A_36, [1, 0] : vector<128x4xf32> -> vector<4x128xf32>
    %swap3A_38 = arith.constant 24 : index
    %swap3A_39 = arith.constant 0 : index
    %swap3A_40 = vector.load %arg4[%swap3A_38, %swap3A_39] : memref<64x128xf32, #tpu.memory_space<vmem>>, vector<4x128xf32>
    tpu.vector_store %arg4[%swap3A_38, %swap3A_39], %transpose3A_37 {strides = array<i32>} : memref<64x128xf32, #tpu.memory_space<vmem>>, vector<4x128xf32>,
    %slice3A_41 = vector.extract_strided_slice %add3A_8 {offsets = [896, 0], sizes = [128, 4], strides = [1, 1]} : vector<2048x4xf32> to vector<128x4xf32>
    %transpose3A_42 = tpu.transpose %slice3A_41, [1, 0] : vector<128x4xf32> -> vector<4x128xf32>
    %swap3A_43 = arith.constant 28 : index
    %swap3A_44 = arith.constant 0 : index
    %swap3A_45 = vector.load %arg4[%swap3A_43, %swap3A_44] : memref<64x128xf32, #tpu.memory_space<vmem>>, vector<4x128xf32>
    tpu.vector_store %arg4[%swap3A_43, %swap3A_44], %transpose3A_42 {strides = array<i32>} : memref<64x128xf32, #tpu.memory_space<vmem>>, vector<4x128xf32>,
    %slice3A_46 = vector.extract_strided_slice %add3A_8 {offsets = [1024, 0], sizes = [128, 4], strides = [1, 1]} : vector<2048x4xf32> to vector<128x4xf32>
    %transpose3A_47 = tpu.transpose %slice3A_46, [1, 0] : vector<128x4xf32> -> vector<4x128xf32>
    %swap3A_48 = arith.constant 32 : index
    %swap3A_49 = arith.constant 0 : index
    %swap3A_50 = vector.load %arg4[%swap3A_48, %swap3A_49] : memref<64x128xf32, #tpu.memory_space<vmem>>, vector<4x128xf32>
    tpu.vector_store %arg4[%swap3A_48, %swap3A_49], %transpose3A_47 {strides = array<i32>} : memref<64x128xf32, #tpu.memory_space<vmem>>, vector<4x128xf32>,
    %slice3A_51 = vector.extract_strided_slice %add3A_8 {offsets = [1152, 0], sizes = [128, 4], strides = [1, 1]} : vector<2048x4xf32> to vector<128x4xf32>
    %transpose3A_52 = tpu.transpose %slice3A_51, [1, 0] : vector<128x4xf32> -> vector<4x128xf32>
    %swap3A_53 = arith.constant 36 : index
    %swap3A_54 = arith.constant 0 : index
    %swap3A_55 = vector.load %arg4[%swap3A_53, %swap3A_54] : memref<64x128xf32, #tpu.memory_space<vmem>>, vector<4x128xf32>
    tpu.vector_store %arg4[%swap3A_53, %swap3A_54], %transpose3A_52 {strides = array<i32>} : memref<64x128xf32, #tpu.memory_space<vmem>>, vector<4x128xf32>,
    %slice3A_56 = vector.extract_strided_slice %add3A_8 {offsets = [1280, 0], sizes = [128, 4], strides = [1, 1]} : vector<2048x4xf32> to vector<128x4xf32>
    %transpose3A_57 = tpu.transpose %slice3A_56, [1, 0] : vector<128x4xf32> -> vector<4x128xf32>
    %swap3A_58 = arith.constant 40 : index
    %swap3A_59 = arith.constant 0 : index
    %swap3A_60 = vector.load %arg4[%swap3A_58, %swap3A_59] : memref<64x128xf32, #tpu.memory_space<vmem>>, vector<4x128xf32>
    tpu.vector_store %arg4[%swap3A_58, %swap3A_59], %transpose3A_57 {strides = array<i32>} : memref<64x128xf32, #tpu.memory_space<vmem>>, vector<4x128xf32>,
    %slice3A_61 = vector.extract_strided_slice %add3A_8 {offsets = [1408, 0], sizes = [128, 4], strides = [1, 1]} : vector<2048x4xf32> to vector<128x4xf32>
    %transpose3A_62 = tpu.transpose %slice3A_61, [1, 0] : vector<128x4xf32> -> vector<4x128xf32>
    %swap3A_63 = arith.constant 44 : index
    %swap3A_64 = arith.constant 0 : index
    %swap3A_65 = vector.load %arg4[%swap3A_63, %swap3A_64] : memref<64x128xf32, #tpu.memory_space<vmem>>, vector<4x128xf32>
    tpu.vector_store %arg4[%swap3A_63, %swap3A_64], %transpose3A_62 {strides = array<i32>} : memref<64x128xf32, #tpu.memory_space<vmem>>, vector<4x128xf32>,
    %slice3A_66 = vector.extract_strided_slice %add3A_8 {offsets = [1536, 0], sizes = [128, 4], strides = [1, 1]} : vector<2048x4xf32> to vector<128x4xf32>
    %transpose3A_67 = tpu.transpose %slice3A_66, [1, 0] : vector<128x4xf32> -> vector<4x128xf32>
    %swap3A_68 = arith.constant 48 : index
    %swap3A_69 = arith.constant 0 : index
    %swap3A_70 = vector.load %arg4[%swap3A_68, %swap3A_69] : memref<64x128xf32, #tpu.memory_space<vmem>>, vector<4x128xf32>
    tpu.vector_store %arg4[%swap3A_68, %swap3A_69], %transpose3A_67 {strides = array<i32>} : memref<64x128xf32, #tpu.memory_space<vmem>>, vector<4x128xf32>,
    %slice3A_71 = vector.extract_strided_slice %add3A_8 {offsets = [1664, 0], sizes = [128, 4], strides = [1, 1]} : vector<2048x4xf32> to vector<128x4xf32>
    %transpose3A_72 = tpu.transpose %slice3A_71, [1, 0] : vector<128x4xf32> -> vector<4x128xf32>
    %swap3A_73 = arith.constant 52 : index
    %swap3A_74 = arith.constant 0 : index
    %swap3A_75 = vector.load %arg4[%swap3A_73, %swap3A_74] : memref<64x128xf32, #tpu.memory_space<vmem>>, vector<4x128xf32>
    tpu.vector_store %arg4[%swap3A_73, %swap3A_74], %transpose3A_72 {strides = array<i32>} : memref<64x128xf32, #tpu.memory_space<vmem>>, vector<4x128xf32>,
    %slice3A_76 = vector.extract_strided_slice %add3A_8 {offsets = [1792, 0], sizes = [128, 4], strides = [1, 1]} : vector<2048x4xf32> to vector<128x4xf32>
    %transpose3A_77 = tpu.transpose %slice3A_76, [1, 0] : vector<128x4xf32> -> vector<4x128xf32>
    %swap3A_78 = arith.constant 56 : index
    %swap3A_79 = arith.constant 0 : index
    %swap3A_80 = vector.load %arg4[%swap3A_78, %swap3A_79] : memref<64x128xf32, #tpu.memory_space<vmem>>, vector<4x128xf32>
    tpu.vector_store %arg4[%swap3A_78, %swap3A_79], %transpose3A_77 {strides = array<i32>} : memref<64x128xf32, #tpu.memory_space<vmem>>, vector<4x128xf32>,
    %slice3A_81 = vector.extract_strided_slice %add3A_8 {offsets = [1920, 0], sizes = [128, 4], strides = [1, 1]} : vector<2048x4xf32> to vector<128x4xf32>
    %transpose3A_82 = tpu.transpose %slice3A_81, [1, 0] : vector<128x4xf32> -> vector<4x128xf32>
    %swap3A_83 = arith.constant 60 : index
    %swap3A_84 = arith.constant 0 : index
    %swap3A_85 = vector.load %arg4[%swap3A_83, %swap3A_84] : memref<64x128xf32, #tpu.memory_space<vmem>>, vector<4x128xf32>
    tpu.vector_store %arg4[%swap3A_83, %swap3A_84], %transpose3A_82 {strides = array<i32>} : memref<64x128xf32, #tpu.memory_space<vmem>>, vector<4x128xf32>,
    return
  }
  func.func @transform_0(%arg0: i32) -> (i32, i32) {
    %c0_i32 = arith.constant 0 : i32
    %c0_i32_0 = arith.constant 0 : i32
    return %arg0, %c0_i32 : i32, i32
  }
  func.func @transform_1(%arg0: i32) -> (i32, i32) {
    %c0_i32 = arith.constant 0 : i32
    %c0_i32_0 = arith.constant 0 : i32
    %c0_i32_1 = arith.constant 0 : i32
    return %c0_i32, %c0_i32_0 : i32, i32
  }
  func.func @transform_2(%arg0: i32) -> i32 {
    %c0_i32 = arith.constant 0 : i32
    %c0_i32_0 = arith.constant 0 : i32
    return %c0_i32 : i32
  }
  func.func @transform_3(%arg0: i32) -> (i32, i32) {
    %c0_i32 = arith.constant 0 : i32
    %c0_i32_0 = arith.constant 0 : i32
    return %arg0, %c0_i32 : i32, i32
  }
}

</mosaic_0001>

<sc_bundles>
// kernel: kernel.5.cloned.1.call-start
scs
__scs_entry_jumppad:
0x0: {  	(pc) =	sbr.rel $0x88, $3  }
0x1: {  	(tag) =	ssettag $0x0;
	lr =	simm.s32 $0x1  }
0x2: {  	[smem:$0x3F9D] =	sst lr;
	_ =	strace $0xD0000000  }
0x3: {  	_ = 	snop  }
0x4: {  	_ = 	snop  }
0x5: {  	_ = 	snop  }
0x6: {  	_ = 	snop  }
0x7: {  	_ = 	snop  }
__scs_overlays_trampoline_lowered:
0x8: {  	[smem:$0x3FAC] =	sst s0  }
0x9: {  	[smem:$0x3FAD] =	sst s1  }
0xa: {  	[smem:$0x3FAE] =	sst s2  }
0xb: {  	[smem:$0x3FAF] =	sst s3  }
0xc: {  	[smem:$0x3FB0] =	sst s4  }
0xd: {  	[smem:$0x3FB1] =	sst s5  }
0xe: {  	[smem:$0x3FB2] =	sst s6  }
0xf: {  	[smem:$0x3FB3] =	sst s7  }
0x10: {  	[smem:$0x3FB4] =	sst s8  }
0x11: {  	[smem:$0x3FB5] =	sst s9;
	s0 =	simm.s32 @!p0 $0x0  }
0x12: {  	s1 =	sld [smem:$0x3F9B];
	s0 =	simm.s32 @p0 $0x1  }
0x13: {  	[smem:$0x3FB6] =	sst s0;
	s0 =	simm.s32 @!p1 $0x0  }
0x14: {  	s2 =	sld [smem:$0x3F9A];
	s0 =	simm.s32 @p1 $0x1  }
0x15: {  	[smem:$0x3FB7] =	sst s0;
	s0 =	simm.s32 @!p2 $0x0  }
0x16: {  	s3 =	sld [smem:$0x3FDB];
	s0 =	simm.s32 @p2 $0x1  }
0x17: {  	s4 =	simm.s32 $0x1BF5;
	[smem:$0x3FB9] =	sst s0  }
0x18: {  	s0 =	sld [smem:$0x3F9C];
	_ =	swait.ge [sflag:s4], $0x0  }
0x19: {  	s7 =	sld [smem:$0x3F9D]  }
0x1a: {  	s8 =	sadd.s32 $0xFFFFE003, lr  }
0x1b: {  	s9 =	sadd.s32 $0xFFFFFEF7, lr;
	s5 =	simm.s32 $0xFFFFFFFF;
	p2 =	slt.u32 s8, $0xFFFFF086  }
0x1c: {  	p1 =	slt.u32 s9, $0xF7A;
	s5 =	simm.s32 @!p2 $0x0  }
0x1d: {  	s5 =	simm.s32 @p1 $0x1;
	p0 =	seq.s32 s7, s2  }
0x1e: {  	s7 =	smul.u32 @!p0 $0xF7A, s2;
	p2 =	seq.s32 @!p0 s5, $0x0  }
0x1f: {  	s9 =	smul.u32 $0xF7A, s1;
	s8 =	simm.s32 @!p0 $0x1BF5;
	p2 =	por !p2, p0  }
0x20: {  	[sflag:s8] =	ssyncset.s32 @!p0 $0xFFFFF086;
	s6 =	sadd.s32 @!p0 s3, s7;
	s7 =	simm.s32 @!p0 $0x108  }
0x21: {  	s3 =	sadd.s32 s3, s9;
	s6 =	sadd.s32 @!p0 $0x88, s6;
	s7 =	simm.s32 @p2 $0x1082  }
0x22: {  	[simem:s7], [sflag:s8] =	dma.local @!p0 [hbm:s6], $0xF7A  }
0x23: {  	s9 =	sor.u32 $0xD0000000, s2;
	s6 =	simm.s32 $0x108;
	_ =	swait.ge @!p0 [sflag:s8], $0x0  }
0x24: {  	s3 =	sadd.s32 $0x88, s3;
	s6 =	simm.s32 @!p1 $0x1082;
	[sflag:s4] =	ssyncset.s32 $0xFFFFF086  }
0x25: {  	[simem:s6], [sflag:s4] =	dma.local [hbm:s3], $0xF7A  }
0x26: {  	[smem:$0x3F9D] =	sst s1;
	(tag) =	ssettag s2;
	_ =	strace s9  }
0x27: {  	s1 =	sld [smem:$0x3FAD]  }
0x28: {  	s2 =	sld [smem:$0x3FAE]  }
0x29: {  	s4 =	sld [smem:$0x3FB0]  }
0x2a: {  	p0 =	seq.s32 s5, $0x0;
	s5 =	sld [smem:$0x3FB1]  }
0x2b: {  	s6 =	sld [smem:$0x3FB2]  }
0x2c: {  	s7 =	sld [smem:$0x3FB3]  }
0x2d: {  	s3 =	simm.s32 $0x108;
	s8 =	sld [smem:$0x3FB4]  }
0x2e: {  	s3 =	simm.s32 @!p0 $0x1082;
	s9 =	sld [smem:$0x3FB5]  }
0x2f: {  	lr =	sadd.s32 s0, s3;
	s0 =	sld [smem:$0x3FAC]  }
0x30: {  	s3 =	sld [smem:$0x3FAF]  }
0x31: {  	[smem:$0x3FB8] =	sst s10  }
0x32: {  	s10 =	sld [smem:$0x3FB6];
	_ =	sdelay $0x3  }
0x33: {  	p0 =	seq.s32 s10, $0x1;
	s10 =	sld [smem:$0x3FB8];
	_ =	sdelay $0x3  }
0x34: {  	[smem:$0x3FB8] =	sst s10  }
0x35: {  	s10 =	sld [smem:$0x3FB7];
	_ =	sdelay $0x3  }
0x36: {  	p1 =	seq.s32 s10, $0x1;
	s10 =	sld [smem:$0x3FB8];
	_ =	sdelay $0x3  }
0x37: {  	[smem:$0x3FB8] =	sst s10  }
0x38: {  	s10 =	sld [smem:$0x3FB9]  }
0x39: {  	_ = 	snop;
	(pc) =	sbr.ind lr, $3  }
0x3a: {  	_ = 	snop  }
0x3b: {  	_ = 	snop  }
0x3c: {  	p2 =	seq.s32 s10, $0x1;
	s10 =	sld [smem:$0x3FB8]  }
0x3d: {  	_ =	shalt  }
0x3e: {  	_ =	shalt  }
0x3f: {  	_ =	shalt  }
0x40: {  	_ =	shalt  }
0x41: {  	_ =	shalt  }
0x42: {  	_ =	shalt  }
0x43: {  	_ =	shalt  }
0x44: {  	_ =	shalt  }
0x45: {  	_ =	shalt  }
0x46: {  	_ =	shalt  }
0x47: {  	_ =	shalt  }
0x48: {  	_ =	shalt  }
0x49: {  	_ =	shalt  }
0x4a: {  	_ =	shalt  }
0x4b: {  	_ =	shalt  }
0x4c: {  	_ =	shalt  }
0x4d: {  	_ =	shalt  }
0x4e: {  	_ =	shalt  }
0x4f: {  	_ =	shalt  }
0x50: {  	_ =	shalt  }
0x51: {  	_ =	shalt  }
0x52: {  	_ =	shalt  }
0x53: {  	_ =	shalt  }
0x54: {  	_ =	shalt  }
0x55: {  	_ =	shalt  }
0x56: {  	_ =	shalt  }
0x57: {  	_ =	shalt  }
0x58: {  	_ =	shalt  }
0x59: {  	_ =	shalt  }
0x5a: {  	_ =	shalt  }
0x5b: {  	_ =	shalt  }
0x5c: {  	_ =	shalt  }
0x5d: {  	_ =	shalt  }
0x5e: {  	_ =	shalt  }
0x5f: {  	_ =	shalt  }
0x60: {  	_ =	shalt  }
0x61: {  	_ =	shalt  }
0x62: {  	_ =	shalt  }
0x63: {  	_ =	shalt  }
0x64: {  	_ =	shalt  }
0x65: {  	_ =	shalt  }
0x66: {  	_ =	shalt  }
0x67: {  	_ =	shalt  }
0x68: {  	_ =	shalt  }
0x69: {  	_ =	shalt  }
0x6a: {  	_ =	shalt  }
0x6b: {  	_ =	shalt  }
0x6c: {  	_ =	shalt  }
0x6d: {  	_ =	shalt  }
0x6e: {  	_ =	shalt  }
0x6f: {  	_ =	shalt  }
0x70: {  	_ =	shalt  }
0x71: {  	_ =	shalt  }
0x72: {  	_ =	shalt  }
0x73: {  	_ =	shalt  }
0x74: {  	_ =	shalt  }
0x75: {  	_ =	shalt  }
0x76: {  	_ =	shalt  }
0x77: {  	_ =	shalt  }
0x78: {  	_ =	shalt  }
0x79: {  	_ =	shalt  }
0x7a: {  	_ =	shalt  }
0x7b: {  	_ =	shalt  }
0x7c: {  	_ =	shalt  }
0x7d: {  	_ =	shalt  }
0x7e: {  	_ =	shalt  }
0x7f: {  	_ =	shalt  }
0x80: {  	_ =	shalt  }
0x81: {  	_ =	shalt  }
0x82: {  	_ =	shalt  }
0x83: {  	_ =	shalt  }
0x84: {  	_ =	shalt  }
0x85: {  	_ =	shalt  }
0x86: {  	_ =	shalt  }
0x87: {  	_ =	shalt  }
.Lfunc_end0:
.L_simem_size_0:
called_computation_lowered:
.L_overlay_start_0:
0x88: {  	s2 =	sld [smem:$0x3FD9]  }
0x89: {  	s3 =	sld [smem:$0x3FFE];
	_ =	sdelay $0x1  }
0x8a: {  	s1 =	srdreg.scid  }
0x8b: {  	s0 =	sand.u32 $0x1, s1  }
0x8c: {  	s17 =	sshll.u32 s0, $0xA;
	s2 =	sadd.s32 s3, s2  }
0x8d: {  	s2 =	sadd.s32 s2, s17  }
0x8e: {  	[smem:$0x3FC4] =	sst s2  }
0x8f: {  	_ = 	snop  }
0x90: {  	s2 =	sld [smem:$0x3FD0];
	(tm) =	ssettm $0x1  }
0x91: {  	s18 =	sld [smem:$0x3FFB];
	_ =	sdelay $0x3  }
0x92: {  	_ =	strace s18  }
0x93: {  	s3 =	sld [smem:$0x3FFC];
	_ =	sdelay $0x3  }
0x94: {  	_ =	strace s3  }
0x95: {  	s3 =	sld [smem:$0x3FFD];
	_ =	sdelay $0x3  }
0x96: {  	_ =	strace s3  }
0x97: {  	_ =	strace $0x8FFFFFFF  }
0x98: {  	s19 =	sld [smem:$0x3FDB];
	_ =	sdelay $0x1  }
0x99: {  	s4 =	simm.s32 $_scs_section_size  }
0x9a: {  	s5 =	simm.s32 $_size__tile_overlayer_lowered;
	s6 =	simm.s32 $_tile_overlayer_lowered  }
0x9b: {  	s22 =	simm.s32 $0x1BFF;
	s21 =	sshll.u32 s6, $0x1;
	s3 =	sadd.s32 s4, s19  }
0x9c: {  	s7 =	simm.s32 $0x0;
	s20 =	sshll.u32 s5, $0x1;
	s5 =	sadd.s32 s21, s3  }
0x9d: {  	[timem:s7], [sflag:s22] =	dma.local [hbm:s5], s20  }
0x9e: {  	_ =	swait.ge [sflag:s22], s20  }
0x9f: {  	s4 =	ssub.s32 $0x0, s20;
	[sflag:s22] =	ssyncset.done $0x0  }
0xa0: {  	[sflag:s22] =	ssyncadd.s32 s4;
	_ =	sdelay $0x1  }
0xa1: {  	s23 =	simm.s32 $0x1B8B  }
0xa2: {  	_ =	swait.ge [sflag:s23], $0x1  }
0xa3: {  	[sflag:s23] =	ssyncset.done $0x0  }
0xa4: {  	s25 =	simm.s32 $0x1B8E;
	s24 =	sld [smem:$0x3FFE];
	[sflag:s23] =	ssyncadd.s32 $0xFFFFFFFF  }
0xa5: {  	s26 =	simm.s32 $execute0_lowered;
	[smem:$0x3FD2] =	sst s25  }
0xa6: {  	s5 =	sshll.u32 s26, $0x1;
	_ =	strace $0x80000046;
	[dreg:$0x1] =	wrdreg $0xFFFFFFFF  }
0xa7: {  	s28 =	simm.s32 $_size_execute0_lowered;
	s3 =	sadd.s32 s3, s5;
	[dreg:$0x0] =	wrdreg $0x0  }
0xa8: {  	s5 =	sshll.u32 s28, $0x1;
	[dreg:$0x2] =	wrdreg s3  }
0xa9: {  	[dreg:$0x3] =	wrdreg s5  }
0xaa: {  	[dreg:$0x4] =	wrdreg $0xC0  }
0xab: {  	_ =	task [dreg:s7], $0x5FFFF  }
0xac: {  	[dreg:$0x1] =	wrdreg $0xFFFFFFFF  }
0xad: {  	[dreg:$0x0] =	wrdreg $0x60  }
0xae: {  	[dreg:$0x2] =	wrdreg s24  }
0xaf: {  	[dreg:$0x3] =	wrdreg s2  }
0xb0: {  	[dreg:$0x4] =	wrdreg $0x9  }
0xb1: {  	_ =	task.clear_ibuf [dreg:s7], $0x5FFFF;
	_ =	strace $0x90000046  }
0xb2: {  	s29 =	simm.s32 $0x9;
	_ =	strace $0x80000048  }
0xb3: {  	_ =	swait.ge [sflag:s29], $0x1  }
0xb4: {  	[sflag:s29] =	ssyncadd.s32 $0xFFFFFFFF  }
0xb5: {  	_ =	strace $0x90000048  }
0xb6: {  	_ =	sfence  }
0xb7: {  	s30 =	sld [smem:$0x0];
	_ =	sdelay $0x2  }
0xb8: {  	s31 =	sshll.u32 s1, $0xD;
	s1 =	sshrl.u32 s1, $0x2  }
0xb9: {  	s3 =	sand.u32 $0x4000, s31;
	s1 =	sadd.s32 s1, s30  }
0xba: {  	s0 =	sor.u32 s3, s0;
	s1 =	sshll.u32 s1, $0x11  }
0xbb: {  	s0 =	sor.u32 s1, s0  }
0xbc: {  	s0 =	sadd.s32 $0x8F2B, s0  }
0xbd: {  	[sflag:s0] =	ssyncadd.remote.s32 $0x1  }
0xbe: {  	_ =	sfence.sel $0xFFFF  }
0xbf: {  	[dreg:$0x0] =	wrdreg $0xFFFFFFFF;
	(pc) =	sbr.abs _section_cstart, $3  }
0xc0: {  	[dreg:$0x1] =	wrdreg $0xFFFFFFFF  }
0xc1: {  	_ =	task.clear_ibuf [dreg:s7], $0x2FFFF;
	_ =	strace $0x9FFFFFFF  }
0xc2: {  	(tm) =	ssettm $0x7FFFFFFF  }
0xc3: {  	_ =	shalt  }
tec
execute0_lowered:
.L_overlay_start_1:
0x0: {  	(tag) =	ssettag $0x1  }
0x1: {  	s1 =	srdreg.scid  }
0x2: {  	s0 =	stileid.u32;
	s4 =	rddreg [dreg:$0x0]  }
0x3: {  	s6 =	rddreg [dreg:$0x1];
	s2 =	simm.s32 $0x0;
	s13 =	simm.s32 $0x2  }
0x4: {  	s14 =	simm.s32 $0x6400;
	s15 =	simm.s32 $0x1;
	s16 =	simm.s32 $0xC800  }
0x5: {  	s3 =	sand.u32 $0x1, s1;
	s29 =	sshll.u32 s0, $0x1;
	s1 =	rddreg [dreg:$0x2]  }
0x6: {  	s17 =	simm.s32 $0x0;
	[smem:$0x7FF] =	sst s2;
	s5 =	sor.u32 s3, s29  }
0x7: {  	_ =	strace $0x80000047;
	s30 =	ssub.s32 $0x2, s3;
	s7 =	smul.u32 $0x19000, s5  }
0x8: {  	s3 =	sadd.s32 $0x64E00, s4;
	s31 =	sshrl.u32 s30, $0x1;
	s5 =	sshll.u32 s5, $0x6  }
0x9: {  	s12 =	ssub.s32 s30, s31;
	s5 =	sadd.s32 s6, s5;
	s7 =	sshrl.u32 s7, $0x3  }
0xa: {  	s9 =	sadd.s32 $0x20, s5;
	s11 =	sadd.s32 $0x30, s5;
	s10 =	sadd.s32 s7, s4  }
0xb: {  	s12 =	smax.u32 s12, $0x1;
	s7 =	sadd.s32 $0x10, s5;
	s4 =	sadd.s32 $0xE00, s10  }
0xc: {  	s6 =	sadd.s32 $0x1A80, s10;
	s8 =	sadd.s32 $0x2700, s10;
	s10 =	sadd.s32 $0x3380, s10  }
.LBB2_1:
0xd: {  	[tilespmem:s2], [sflag:$0x2] =	stream.linear.gather [hbm4b:s4+s2], $0x6400, $0x38;
	[tilespmem:$0xC880] =	vst v63  }
0xe: {  	_ =	swait.ge [sflag:s13], $0x6400  }
0xf: {  	[sflag:s13] =	ssyncset.done $0x0  }
0x10: {  	[sflag:s13] =	ssyncadd.s32 $0xFFFF9C00  }
0x11: {  	[tilespmem:s14], [sflag:$0x1] =	stream.indirect.gather [hbm4b:s3+s14], $0x1, s2, s14, $0xb8;
	[tilespmem:$0xC880] =	vst v63  }
0x12: {  	_ =	swait.ge [sflag:s15], $0x6400  }
0x13: {  	[sflag:s15] =	ssyncset.done $0x0  }
0x14: {  	s19 =	simm.s32 $0x0;
	[sflag:s15] =	ssyncadd.s32 $0xFFFF9C00  }
0x15: {  	v0 =	vimm.f32 $0.0e+00;
	s18 =	simm.s32 $0x200;
	v1 =	vld [tilespmem:s19+$0x6400]  }
.LBB2_2:
0x16: {  	p0 =	sne.s32 s18, $0x18E00  }
.Ltmp0:
0x17: {  	_ = 	snop;
	(pc) =	sbr.rel @p0 .LBB2_2-.Ltmp0, $3  }
0x18: {  	_ =	sdelay $0x1  }
0x19: {  	s19 =	sshra.s32 s18, $0x2;
	s18 =	sadd.s32 $0x200, s18;
	v0 =	vadd.f32 v1, v0  }
0x1a: {  	v1 =	vld [tilespmem:s19+$0x6400]  }
0x1b: {  	_ =	sdelay $0x3  }
0x1c: {  	v0 =	vadd.f32 v1, v0;
	_ =	sdelay $0x1  }
0x1d: {  	v0 =	vsub.f32 $0.0e+00, v0;
	_ =	sdelay $0x1  }
0x1e: {  	v0 =	vmul.f32 $1.442695020e+00, v0;
	_ =	sdelay $0x1  }
0x1f: {  	(erf) = vpow2.f32 v0;
	_ =	sdelay $0x8  }
0x20: {  	v0 =	vpop (erf)  }
0x21: {  	v0 =	vadd.f32 $1.000000000e+00, v0;
	_ =	sdelay $0x1  }
0x22: {  	(erf) = vrcp.f32 v0;
	_ =	sdelay $0x8  }
0x23: {  	v0 =	vpop (erf)  }
0x24: {  	s19 =	simm.s32 $0x10;
	[tilespmem:$0xC800] =	vst v0  }
0x25: {  	s18 =	simm.s32 $0x240;
	v0 =	vimm.f32 $0.0e+00;
	v1 =	vld [tilespmem:s19+$0x6400]  }
.LBB2_4:
0x26: {  	p0 =	sne.s32 s18, $0x18E40  }
.Ltmp1:
0x27: {  	_ = 	snop;
	(pc) =	sbr.rel @p0 .LBB2_4-.Ltmp1, $3  }
0x28: {  	_ =	sdelay $0x1  }
0x29: {  	s19 =	sshra.s32 s18, $0x2;
	s18 =	sadd.s32 $0x200, s18;
	v0 =	vadd.f32 v1, v0  }
0x2a: {  	v1 =	vld [tilespmem:s19+$0x6400]  }
0x2b: {  	_ =	sdelay $0x3  }
0x2c: {  	v0 =	vadd.f32 v1, v0;
	_ =	sdelay $0x1  }
0x2d: {  	v0 =	vsub.f32 $0.0e+00, v0;
	_ =	sdelay $0x1  }
0x2e: {  	v0 =	vmul.f32 $1.442695020e+00, v0;
	_ =	sdelay $0x1  }
0x2f: {  	(erf) = vpow2.f32 v0;
	_ =	sdelay $0x8  }
0x30: {  	v0 =	vpop (erf)  }
0x31: {  	v0 =	vadd.f32 $1.000000000e+00, v0;
	_ =	sdelay $0x1  }
0x32: {  	(erf) = vrcp.f32 v0;
	_ =	sdelay $0x8  }
0x33: {  	v0 =	vpop (erf)  }
0x34: {  	s19 =	simm.s32 $0x20;
	[tilespmem:$0xC810] =	vst v0  }
0x35: {  	s18 =	simm.s32 $0x280;
	v0 =	vimm.f32 $0.0e+00;
	v1 =	vld [tilespmem:s19+$0x6400]  }
.LBB2_6:
0x36: {  	p0 =	sne.s32 s18, $0x18E80  }
.Ltmp2:
0x37: {  	_ = 	snop;
	(pc) =	sbr.rel @p0 .LBB2_6-.Ltmp2, $3  }
0x38: {  	_ =	sdelay $0x1  }
0x39: {  	s19 =	sshra.s32 s18, $0x2;
	s18 =	sadd.s32 $0x200, s18;
	v0 =	vadd.f32 v1, v0  }
0x3a: {  	v1 =	vld [tilespmem:s19+$0x6400]  }
0x3b: {  	_ =	sdelay $0x3  }
0x3c: {  	v0 =	vadd.f32 v1, v0;
	_ =	sdelay $0x1  }
0x3d: {  	v0 =	vsub.f32 $0.0e+00, v0;
	_ =	sdelay $0x1  }
0x3e: {  	v0 =	vmul.f32 $1.442695020e+00, v0;
	_ =	sdelay $0x1  }
0x3f: {  	(erf) = vpow2.f32 v0;
	_ =	sdelay $0x8  }
0x40: {  	v0 =	vpop (erf)  }
0x41: {  	v0 =	vadd.f32 $1.000000000e+00, v0;
	_ =	sdelay $0x1  }
0x42: {  	(erf) = vrcp.f32 v0;
	_ =	sdelay $0x8  }
0x43: {  	v0 =	vpop (erf)  }
0x44: {  	s19 =	simm.s32 $0x30;
	[tilespmem:$0xC820] =	vst v0  }
0x45: {  	s18 =	simm.s32 $0x2C0;
	v0 =	vimm.f32 $0.0e+00;
	v1 =	vld [tilespmem:s19+$0x6400]  }
.LBB2_8:
0x46: {  	p0 =	sne.s32 s18, $0x18EC0  }
.Ltmp3:
0x47: {  	_ = 	snop;
	(pc) =	sbr.rel @p0 .LBB2_8-.Ltmp3, $3  }
0x48: {  	_ =	sdelay $0x1  }
0x49: {  	s19 =	sshra.s32 s18, $0x2;
	s18 =	sadd.s32 $0x200, s18;
	v0 =	vadd.f32 v1, v0  }
0x4a: {  	v1 =	vld [tilespmem:s19+$0x6400]  }
0x4b: {  	_ =	sdelay $0x3  }
0x4c: {  	v0 =	vadd.f32 v1, v0;
	_ =	sdelay $0x1  }
0x4d: {  	v0 =	vsub.f32 $0.0e+00, v0;
	_ =	sdelay $0x1  }
0x4e: {  	v0 =	vmul.f32 $1.442695020e+00, v0;
	_ =	sdelay $0x1  }
0x4f: {  	(erf) = vpow2.f32 v0;
	_ =	sdelay $0x8  }
0x50: {  	v0 =	vpop (erf)  }
0x51: {  	v0 =	vadd.f32 $1.000000000e+00, v0;
	_ =	sdelay $0x1  }
0x52: {  	(erf) = vrcp.f32 v0;
	_ =	sdelay $0x8  }
0x53: {  	v0 =	vpop (erf)  }
0x54: {  	s19 =	simm.s32 $0x40;
	[tilespmem:$0xC830] =	vst v0  }
0x55: {  	s18 =	simm.s32 $0x300;
	v0 =	vimm.f32 $0.0e+00;
	v1 =	vld [tilespmem:s19+$0x6400]  }
.LBB2_10:
0x56: {  	p0 =	sne.s32 s18, $0x18F00  }
.Ltmp4:
0x57: {  	_ = 	snop;
	(pc) =	sbr.rel @p0 .LBB2_10-.Ltmp4, $3  }
0x58: {  	_ =	sdelay $0x1  }
0x59: {  	s19 =	sshra.s32 s18, $0x2;
	s18 =	sadd.s32 $0x200, s18;
	v0 =	vadd.f32 v1, v0  }
0x5a: {  	v1 =	vld [tilespmem:s19+$0x6400]  }
0x5b: {  	_ =	sdelay $0x3  }
0x5c: {  	v0 =	vadd.f32 v1, v0;
	_ =	sdelay $0x1  }
0x5d: {  	v0 =	vsub.f32 $0.0e+00, v0;
	_ =	sdelay $0x1  }
0x5e: {  	v0 =	vmul.f32 $1.442695020e+00, v0;
	_ =	sdelay $0x1  }
0x5f: {  	(erf) = vpow2.f32 v0;
	_ =	sdelay $0x8  }
0x60: {  	v0 =	vpop (erf)  }
0x61: {  	v0 =	vadd.f32 $1.000000000e+00, v0;
	_ =	sdelay $0x1  }
0x62: {  	(erf) = vrcp.f32 v0;
	_ =	sdelay $0x8  }
0x63: {  	v0 =	vpop (erf)  }
0x64: {  	s19 =	simm.s32 $0x50;
	[tilespmem:$0xC840] =	vst v0  }
0x65: {  	s18 =	simm.s32 $0x340;
	v0 =	vimm.f32 $0.0e+00;
	v1 =	vld [tilespmem:s19+$0x6400]  }
.LBB2_12:
0x66: {  	p0 =	sne.s32 s18, $0x18F40  }
.Ltmp5:
0x67: {  	_ = 	snop;
	(pc) =	sbr.rel @p0 .LBB2_12-.Ltmp5, $3  }
0x68: {  	_ =	sdelay $0x1  }
0x69: {  	s19 =	sshra.s32 s18, $0x2;
	s18 =	sadd.s32 $0x200, s18;
	v0 =	vadd.f32 v1, v0  }
0x6a: {  	v1 =	vld [tilespmem:s19+$0x6400]  }
0x6b: {  	_ =	sdelay $0x3  }
0x6c: {  	v0 =	vadd.f32 v1, v0;
	_ =	sdelay $0x1  }
0x6d: {  	v0 =	vsub.f32 $0.0e+00, v0;
	_ =	sdelay $0x1  }
0x6e: {  	v0 =	vmul.f32 $1.442695020e+00, v0;
	_ =	sdelay $0x1  }
0x6f: {  	(erf) = vpow2.f32 v0;
	_ =	sdelay $0x8  }
0x70: {  	v0 =	vpop (erf)  }
0x71: {  	v0 =	vadd.f32 $1.000000000e+00, v0;
	_ =	sdelay $0x1  }
0x72: {  	(erf) = vrcp.f32 v0;
	_ =	sdelay $0x8  }
0x73: {  	v0 =	vpop (erf)  }
0x74: {  	s19 =	simm.s32 $0x60;
	[tilespmem:$0xC850] =	vst v0  }
0x75: {  	s18 =	simm.s32 $0x380;
	v0 =	vimm.f32 $0.0e+00;
	v1 =	vld [tilespmem:s19+$0x6400]  }
.LBB2_14:
0x76: {  	p0 =	sne.s32 s18, $0x18F80  }
.Ltmp6:
0x77: {  	_ = 	snop;
	(pc) =	sbr.rel @p0 .LBB2_14-.Ltmp6, $3  }
0x78: {  	_ =	sdelay $0x1  }
0x79: {  	s19 =	sshra.s32 s18, $0x2;
	s18 =	sadd.s32 $0x200, s18;
	v0 =	vadd.f32 v1, v0  }
0x7a: {  	v1 =	vld [tilespmem:s19+$0x6400]  }
0x7b: {  	_ =	sdelay $0x3  }
0x7c: {  	v0 =	vadd.f32 v1, v0;
	_ =	sdelay $0x1  }
0x7d: {  	v0 =	vsub.f32 $0.0e+00, v0;
	_ =	sdelay $0x1  }
0x7e: {  	v0 =	vmul.f32 $1.442695020e+00, v0;
	_ =	sdelay $0x1  }
0x7f: {  	(erf) = vpow2.f32 v0;
	_ =	sdelay $0x8  }
0x80: {  	v0 =	vpop (erf)  }
0x81: {  	v0 =	vadd.f32 $1.000000000e+00, v0;
	_ =	sdelay $0x1  }
0x82: {  	(erf) = vrcp.f32 v0;
	_ =	sdelay $0x8  }
0x83: {  	v0 =	vpop (erf)  }
0x84: {  	s19 =	simm.s32 $0x70;
	[tilespmem:$0xC860] =	vst v0  }
0x85: {  	s18 =	simm.s32 $0x3C0;
	v0 =	vimm.f32 $0.0e+00;
	v1 =	vld [tilespmem:s19+$0x6400]  }
.LBB2_16:
0x86: {  	p0 =	sne.s32 s18, $0x18FC0  }
.Ltmp7:
0x87: {  	_ = 	snop;
	(pc) =	sbr.rel @p0 .LBB2_16-.Ltmp7, $3  }
0x88: {  	_ =	sdelay $0x1  }
0x89: {  	s19 =	sshra.s32 s18, $0x2;
	s18 =	sadd.s32 $0x200, s18;
	v0 =	vadd.f32 v1, v0  }
0x8a: {  	v1 =	vld [tilespmem:s19+$0x6400]  }
0x8b: {  	_ =	sdelay $0x3  }
0x8c: {  	v0 =	vadd.f32 v1, v0;
	_ =	sdelay $0x1  }
0x8d: {  	v0 =	vsub.f32 $0.0e+00, v0;
	_ =	sdelay $0x1  }
0x8e: {  	v0 =	vmul.f32 $1.442695020e+00, v0;
	_ =	sdelay $0x1  }
0x8f: {  	(erf) = vpow2.f32 v0;
	_ =	sdelay $0x8  }
0x90: {  	v0 =	vpop (erf)  }
0x91: {  	v0 =	vadd.f32 $1.000000000e+00, v0;
	_ =	sdelay $0x1  }
0x92: {  	(erf) = vrcp.f32 v0;
	_ =	sdelay $0x8  }
0x93: {  	v0 =	vpop (erf)  }
0x94: {  	s18 =	simm.s32 $0x0;
	[tilespmem:$0xC870] =	vst v0  }
0x95: {  	[hbm4b:s5+s18] =	stream.linear.scatter [tilespmem:s16], [sflag:$0x2], $0x80, $0x38;
	[tilespmem:$0xC880] =	vst v63  }
0x96: {  	_ =	swait.ge [sflag:s13], $0x80  }
0x97: {  	[sflag:s13] =	ssyncset.done $0x0  }
0x98: {  	[sflag:s13] =	ssyncadd.s32 $0xFFFFFF80  }
0x99: {  	[tilespmem:s18], [sflag:$0x2] =	stream.linear.gather [hbm4b:s6+s18], $0x6400, $0x38;
	[tilespmem:$0xC880] =	vst v63  }
0x9a: {  	_ =	swait.ge [sflag:s13], $0x6400  }
0x9b: {  	[sflag:s13] =	ssyncset.done $0x0  }
0x9c: {  	[sflag:s13] =	ssyncadd.s32 $0xFFFF9C00  }
0x9d: {  	[tilespmem:s14], [sflag:$0x1] =	stream.indirect.gather [hbm4b:s3+s14], $0x1, s18, s14, $0xb8;
	[tilespmem:$0xC880] =	vst v63  }
0x9e: {  	_ =	swait.ge [sflag:s15], $0x6400  }
0x9f: {  	[sflag:s15] =	ssyncset.done $0x0  }
0xa0: {  	s19 =	simm.s32 $0x0;
	[sflag:s15] =	ssyncadd.s32 $0xFFFF9C00  }
0xa1: {  	v0 =	vimm.f32 $0.0e+00;
	s18 =	simm.s32 $0x200;
	v1 =	vld [tilespmem:s19+$0x6400]  }
.LBB2_18:
0xa2: {  	p0 =	sne.s32 s18, $0x18E00  }
.Ltmp8:
0xa3: {  	_ = 	snop;
	(pc) =	sbr.rel @p0 .LBB2_18-.Ltmp8, $3  }
0xa4: {  	_ =	sdelay $0x1  }
0xa5: {  	s19 =	sshra.s32 s18, $0x2;
	s18 =	sadd.s32 $0x200, s18;
	v0 =	vadd.f32 v1, v0  }
0xa6: {  	v1 =	vld [tilespmem:s19+$0x6400]  }
0xa7: {  	_ =	sdelay $0x3  }
0xa8: {  	v0 =	vadd.f32 v1, v0;
	_ =	sdelay $0x1  }
0xa9: {  	v0 =	vsub.f32 $0.0e+00, v0;
	_ =	sdelay $0x1  }
0xaa: {  	v0 =	vmul.f32 $1.442695020e+00, v0;
	_ =	sdelay $0x1  }
0xab: {  	(erf) = vpow2.f32 v0;
	_ =	sdelay $0x8  }
0xac: {  	v0 =	vpop (erf)  }
0xad: {  	v0 =	vadd.f32 $1.000000000e+00, v0;
	_ =	sdelay $0x1  }
0xae: {  	(erf) = vrcp.f32 v0;
	_ =	sdelay $0x8  }
0xaf: {  	v0 =	vpop (erf)  }
0xb0: {  	s19 =	simm.s32 $0x10;
	[tilespmem:$0xC800] =	vst v0  }
0xb1: {  	s18 =	simm.s32 $0x240;
	v0 =	vimm.f32 $0.0e+00;
	v1 =	vld [tilespmem:s19+$0x6400]  }
.LBB2_20:
0xb2: {  	p0 =	sne.s32 s18, $0x18E40  }
.Ltmp9:
0xb3: {  	_ = 	snop;
	(pc) =	sbr.rel @p0 .LBB2_20-.Ltmp9, $3  }
0xb4: {  	_ =	sdelay $0x1  }
0xb5: {  	s19 =	sshra.s32 s18, $0x2;
	s18 =	sadd.s32 $0x200, s18;
	v0 =	vadd.f32 v1, v0  }
0xb6: {  	v1 =	vld [tilespmem:s19+$0x6400]  }
0xb7: {  	_ =	sdelay $0x3  }
0xb8: {  	v0 =	vadd.f32 v1, v0;
	_ =	sdelay $0x1  }
0xb9: {  	v0 =	vsub.f32 $0.0e+00, v0;
	_ =	sdelay $0x1  }
0xba: {  	v0 =	vmul.f32 $1.442695020e+00, v0;
	_ =	sdelay $0x1  }
0xbb: {  	(erf) = vpow2.f32 v0;
	_ =	sdelay $0x8  }
0xbc: {  	v0 =	vpop (erf)  }
0xbd: {  	v0 =	vadd.f32 $1.000000000e+00, v0;
	_ =	sdelay $0x1  }
0xbe: {  	(erf) = vrcp.f32 v0;
	_ =	sdelay $0x8  }
0xbf: {  	v0 =	vpop (erf)  }
0xc0: {  	s19 =	simm.s32 $0x20;
	[tilespmem:$0xC810] =	vst v0  }
0xc1: {  	s18 =	simm.s32 $0x280;
	v0 =	vimm.f32 $0.0e+00;
	v1 =	vld [tilespmem:s19+$0x6400]  }
.LBB2_22:
0xc2: {  	p0 =	sne.s32 s18, $0x18E80  }
.Ltmp10:
0xc3: {  	_ = 	snop;
	(pc) =	sbr.rel @p0 .LBB2_22-.Ltmp10, $3  }
0xc4: {  	_ =	sdelay $0x1  }
0xc5: {  	s19 =	sshra.s32 s18, $0x2;
	s18 =	sadd.s32 $0x200, s18;
	v0 =	vadd.f32 v1, v0  }
0xc6: {  	v1 =	vld [tilespmem:s19+$0x6400]  }
0xc7: {  	_ =	sdelay $0x3  }
0xc8: {  	v0 =	vadd.f32 v1, v0;
	_ =	sdelay $0x1  }
0xc9: {  	v0 =	vsub.f32 $0.0e+00, v0;
	_ =	sdelay $0x1  }
0xca: {  	v0 =	vmul.f32 $1.442695020e+00, v0;
	_ =	sdelay $0x1  }
0xcb: {  	(erf) = vpow2.f32 v0;
	_ =	sdelay $0x8  }
0xcc: {  	v0 =	vpop (erf)  }
0xcd: {  	v0 =	vadd.f32 $1.000000000e+00, v0;
	_ =	sdelay $0x1  }
0xce: {  	(erf) = vrcp.f32 v0;
	_ =	sdelay $0x8  }
0xcf: {  	v0 =	vpop (erf)  }
0xd0: {  	s19 =	simm.s32 $0x30;
	[tilespmem:$0xC820] =	vst v0  }
0xd1: {  	s18 =	simm.s32 $0x2C0;
	v0 =	vimm.f32 $0.0e+00;
	v1 =	vld [tilespmem:s19+$0x6400]  }
.LBB2_24:
0xd2: {  	p0 =	sne.s32 s18, $0x18EC0  }
.Ltmp11:
0xd3: {  	_ = 	snop;
	(pc) =	sbr.rel @p0 .LBB2_24-.Ltmp11, $3  }
0xd4: {  	_ =	sdelay $0x1  }
0xd5: {  	s19 =	sshra.s32 s18, $0x2;
	s18 =	sadd.s32 $0x200, s18;
	v0 =	vadd.f32 v1, v0  }
0xd6: {  	v1 =	vld [tilespmem:s19+$0x6400]  }
0xd7: {  	_ =	sdelay $0x3  }
0xd8: {  	v0 =	vadd.f32 v1, v0;
	_ =	sdelay $0x1  }
0xd9: {  	v0 =	vsub.f32 $0.0e+00, v0;
	_ =	sdelay $0x1  }
0xda: {  	v0 =	vmul.f32 $1.442695020e+00, v0;
	_ =	sdelay $0x1  }
0xdb: {  	(erf) = vpow2.f32 v0;
	_ =	sdelay $0x8  }
0xdc: {  	v0 =	vpop (erf)  }
0xdd: {  	v0 =	vadd.f32 $1.000000000e+00, v0;
	_ =	sdelay $0x1  }
0xde: {  	(erf) = vrcp.f32 v0;
	_ =	sdelay $0x8  }
0xdf: {  	v0 =	vpop (erf)  }
0xe0: {  	s19 =	simm.s32 $0x40;
	[tilespmem:$0xC830] =	vst v0  }
0xe1: {  	s18 =	simm.s32 $0x300;
	v0 =	vimm.f32 $0.0e+00;
	v1 =	vld [tilespmem:s19+$0x6400]  }
.LBB2_26:
0xe2: {  	p0 =	sne.s32 s18, $0x18F00  }
.Ltmp12:
0xe3: {  	_ = 	snop;
	(pc) =	sbr.rel @p0 .LBB2_26-.Ltmp12, $3  }
0xe4: {  	_ =	sdelay $0x1  }
0xe5: {  	s19 =	sshra.s32 s18, $0x2;
	s18 =	sadd.s32 $0x200, s18;
	v0 =	vadd.f32 v1, v0  }
0xe6: {  	v1 =	vld [tilespmem:s19+$0x6400]  }
0xe7: {  	_ =	sdelay $0x3  }
0xe8: {  	v0 =	vadd.f32 v1, v0;
	_ =	sdelay $0x1  }
0xe9: {  	v0 =	vsub.f32 $0.0e+00, v0;
	_ =	sdelay $0x1  }
0xea: {  	v0 =	vmul.f32 $1.442695020e+00, v0;
	_ =	sdelay $0x1  }
0xeb: {  	(erf) = vpow2.f32 v0;
	_ =	sdelay $0x8  }
0xec: {  	v0 =	vpop (erf)  }
0xed: {  	v0 =	vadd.f32 $1.000000000e+00, v0;
	_ =	sdelay $0x1  }
0xee: {  	(erf) = vrcp.f32 v0;
	_ =	sdelay $0x8  }
0xef: {  	v0 =	vpop (erf)  }
0xf0: {  	s19 =	simm.s32 $0x50;
	[tilespmem:$0xC840] =	vst v0  }
0xf1: {  	s18 =	simm.s32 $0x340;
	v0 =	vimm.f32 $0.0e+00;
	v1 =	vld [tilespmem:s19+$0x6400]  }
.LBB2_28:
0xf2: {  	p0 =	sne.s32 s18, $0x18F40  }
.Ltmp13:
0xf3: {  	_ = 	snop;
	(pc) =	sbr.rel @p0 .LBB2_28-.Ltmp13, $3  }
0xf4: {  	_ =	sdelay $0x1  }
0xf5: {  	s19 =	sshra.s32 s18, $0x2;
	s18 =	sadd.s32 $0x200, s18;
	v0 =	vadd.f32 v1, v0  }
0xf6: {  	v1 =	vld [tilespmem:s19+$0x6400]  }
0xf7: {  	_ =	sdelay $0x3  }
0xf8: {  	v0 =	vadd.f32 v1, v0;
	_ =	sdelay $0x1  }
0xf9: {  	v0 =	vsub.f32 $0.0e+00, v0;
	_ =	sdelay $0x1  }
0xfa: {  	v0 =	vmul.f32 $1.442695020e+00, v0;
	_ =	sdelay $0x1  }
0xfb: {  	(erf) = vpow2.f32 v0;
	_ =	sdelay $0x8  }
0xfc: {  	v0 =	vpop (erf)  }
0xfd: {  	v0 =	vadd.f32 $1.000000000e+00, v0;
	_ =	sdelay $0x1  }
0xfe: {  	(erf) = vrcp.f32 v0;
	_ =	sdelay $0x8  }
0xff: {  	v0 =	vpop (erf)  }
0x100: {  	s19 =	simm.s32 $0x60;
	[tilespmem:$0xC850] =	vst v0  }
0x101: {  	s18 =	simm.s32 $0x380;
	v0 =	vimm.f32 $0.0e+00;
	v1 =	vld [tilespmem:s19+$0x6400]  }
.LBB2_30:
0x102: {  	p0 =	sne.s32 s18, $0x18F80  }
.Ltmp14:
0x103: {  	_ = 	snop;
	(pc) =	sbr.rel @p0 .LBB2_30-.Ltmp14, $3  }
0x104: {  	_ =	sdelay $0x1  }
0x105: {  	s19 =	sshra.s32 s18, $0x2;
	s18 =	sadd.s32 $0x200, s18;
	v0 =	vadd.f32 v1, v0  }
0x106: {  	v1 =	vld [tilespmem:s19+$0x6400]  }
0x107: {  	_ =	sdelay $0x3  }
0x108: {  	v0 =	vadd.f32 v1, v0;
	_ =	sdelay $0x1  }
0x109: {  	v0 =	vsub.f32 $0.0e+00, v0;
	_ =	sdelay $0x1  }
0x10a: {  	v0 =	vmul.f32 $1.442695020e+00, v0;
	_ =	sdelay $0x1  }
0x10b: {  	(erf) = vpow2.f32 v0;
	_ =	sdelay $0x8  }
0x10c: {  	v0 =	vpop (erf)  }
0x10d: {  	v0 =	vadd.f32 $1.000000000e+00, v0;
	_ =	sdelay $0x1  }
0x10e: {  	(erf) = vrcp.f32 v0;
	_ =	sdelay $0x8  }
0x10f: {  	v0 =	vpop (erf)  }
0x110: {  	s19 =	simm.s32 $0x70;
	[tilespmem:$0xC860] =	vst v0  }
0x111: {  	s18 =	simm.s32 $0x3C0;
	v0 =	vimm.f32 $0.0e+00;
	v1 =	vld [tilespmem:s19+$0x6400]  }
.LBB2_32:
0x112: {  	p0 =	sne.s32 s18, $0x18FC0  }
.Ltmp15:
0x113: {  	_ = 	snop;
	(pc) =	sbr.rel @p0 .LBB2_32-.Ltmp15, $3  }
0x114: {  	_ =	sdelay $0x1  }
0x115: {  	s19 =	sshra.s32 s18, $0x2;
	s18 =	sadd.s32 $0x200, s18;
	v0 =	vadd.f32 v1, v0  }
0x116: {  	v1 =	vld [tilespmem:s19+$0x6400]  }
0x117: {  	_ =	sdelay $0x3  }
0x118: {  	v0 =	vadd.f32 v1, v0;
	_ =	sdelay $0x1  }
0x119: {  	v0 =	vsub.f32 $0.0e+00, v0;
	_ =	sdelay $0x1  }
0x11a: {  	v0 =	vmul.f32 $1.442695020e+00, v0;
	_ =	sdelay $0x1  }
0x11b: {  	(erf) = vpow2.f32 v0;
	_ =	sdelay $0x8  }
0x11c: {  	v0 =	vpop (erf)  }
0x11d: {  	v0 =	vadd.f32 $1.000000000e+00, v0;
	_ =	sdelay $0x1  }
0x11e: {  	(erf) = vrcp.f32 v0;
	_ =	sdelay $0x8  }
0x11f: {  	v0 =	vpop (erf)  }
0x120: {  	s18 =	simm.s32 $0x0;
	[tilespmem:$0xC870] =	vst v0  }
0x121: {  	[hbm4b:s7+s18] =	stream.linear.scatter [tilespmem:s16], [sflag:$0x2], $0x80, $0x38;
	[tilespmem:$0xC880] =	vst v63  }
0x122: {  	_ =	swait.ge [sflag:s13], $0x80  }
0x123: {  	[sflag:s13] =	ssyncset.done $0x0  }
0x124: {  	[sflag:s13] =	ssyncadd.s32 $0xFFFFFF80  }
0x125: {  	[tilespmem:s18], [sflag:$0x2] =	stream.linear.gather [hbm4b:s8+s18], $0x6400, $0x38;
	[tilespmem:$0xC880] =	vst v63  }
0x126: {  	_ =	swait.ge [sflag:s13], $0x6400  }
0x127: {  	[sflag:s13] =	ssyncset.done $0x0  }
0x128: {  	[sflag:s13] =	ssyncadd.s32 $0xFFFF9C00  }
0x129: {  	[tilespmem:s14], [sflag:$0x1] =	stream.indirect.gather [hbm4b:s3+s14], $0x1, s18, s14, $0xb8;
	[tilespmem:$0xC880] =	vst v63  }
0x12a: {  	_ =	swait.ge [sflag:s15], $0x6400  }
0x12b: {  	[sflag:s15] =	ssyncset.done $0x0  }
0x12c: {  	s19 =	simm.s32 $0x0;
	[sflag:s15] =	ssyncadd.s32 $0xFFFF9C00  }
0x12d: {  	v0 =	vimm.f32 $0.0e+00;
	s18 =	simm.s32 $0x200;
	v1 =	vld [tilespmem:s19+$0x6400]  }
.LBB2_34:
0x12e: {  	p0 =	sne.s32 s18, $0x18E00  }
.Ltmp16:
0x12f: {  	_ = 	snop;
	(pc) =	sbr.rel @p0 .LBB2_34-.Ltmp16, $3  }
0x130: {  	_ =	sdelay $0x1  }
0x131: {  	s19 =	sshra.s32 s18, $0x2;
	s18 =	sadd.s32 $0x200, s18;
	v0 =	vadd.f32 v1, v0  }
0x132: {  	v1 =	vld [tilespmem:s19+$0x6400]  }
0x133: {  	_ =	sdelay $0x3  }
0x134: {  	v0 =	vadd.f32 v1, v0;
	_ =	sdelay $0x1  }
0x135: {  	v0 =	vsub.f32 $0.0e+00, v0;
	_ =	sdelay $0x1  }
0x136: {  	v0 =	vmul.f32 $1.442695020e+00, v0;
	_ =	sdelay $0x1  }
0x137: {  	(erf) = vpow2.f32 v0;
	_ =	sdelay $0x8  }
0x138: {  	v0 =	vpop (erf)  }
0x139: {  	v0 =	vadd.f32 $1.000000000e+00, v0;
	_ =	sdelay $0x1  }
0x13a: {  	(erf) = vrcp.f32 v0;
	_ =	sdelay $0x8  }
0x13b: {  	v0 =	vpop (erf)  }
0x13c: {  	s19 =	simm.s32 $0x10;
	[tilespmem:$0xC800] =	vst v0  }
0x13d: {  	s18 =	simm.s32 $0x240;
	v0 =	vimm.f32 $0.0e+00;
	v1 =	vld [tilespmem:s19+$0x6400]  }
.LBB2_36:
0x13e: {  	p0 =	sne.s32 s18, $0x18E40  }
.Ltmp17:
0x13f: {  	_ = 	snop;
	(pc) =	sbr.rel @p0 .LBB2_36-.Ltmp17, $3  }
0x140: {  	_ =	sdelay $0x1  }
0x141: {  	s19 =	sshra.s32 s18, $0x2;
	s18 =	sadd.s32 $0x200, s18;
	v0 =	vadd.f32 v1, v0  }
0x142: {  	v1 =	vld [tilespmem:s19+$0x6400]  }
0x143: {  	_ =	sdelay $0x3  }
0x144: {  	v0 =	vadd.f32 v1, v0;
	_ =	sdelay $0x1  }
0x145: {  	v0 =	vsub.f32 $0.0e+00, v0;
	_ =	sdelay $0x1  }
0x146: {  	v0 =	vmul.f32 $1.442695020e+00, v0;
	_ =	sdelay $0x1  }
0x147: {  	(erf) = vpow2.f32 v0;
	_ =	sdelay $0x8  }
0x148: {  	v0 =	vpop (erf)  }
0x149: {  	v0 =	vadd.f32 $1.000000000e+00, v0;
	_ =	sdelay $0x1  }
0x14a: {  	(erf) = vrcp.f32 v0;
	_ =	sdelay $0x8  }
0x14b: {  	v0 =	vpop (erf)  }
0x14c: {  	s19 =	simm.s32 $0x20;
	[tilespmem:$0xC810] =	vst v0  }
0x14d: {  	s18 =	simm.s32 $0x280;
	v0 =	vimm.f32 $0.0e+00;
	v1 =	vld [tilespmem:s19+$0x6400]  }
.LBB2_38:
0x14e: {  	p0 =	sne.s32 s18, $0x18E80  }
.Ltmp18:
0x14f: {  	_ = 	snop;
	(pc) =	sbr.rel @p0 .LBB2_38-.Ltmp18, $3  }
0x150: {  	_ =	sdelay $0x1  }
0x151: {  	s19 =	sshra.s32 s18, $0x2;
	s18 =	sadd.s32 $0x200, s18;
	v0 =	vadd.f32 v1, v0  }
0x152: {  	v1 =	vld [tilespmem:s19+$0x6400]  }
0x153: {  	_ =	sdelay $0x3  }
0x154: {  	v0 =	vadd.f32 v1, v0;
	_ =	sdelay $0x1  }
0x155: {  	v0 =	vsub.f32 $0.0e+00, v0;
	_ =	sdelay $0x1  }
0x156: {  	v0 =	vmul.f32 $1.442695020e+00, v0;
	_ =	sdelay $0x1  }
0x157: {  	(erf) = vpow2.f32 v0;
	_ =	sdelay $0x8  }
0x158: {  	v0 =	vpop (erf)  }
0x159: {  	v0 =	vadd.f32 $1.000000000e+00, v0;
	_ =	sdelay $0x1  }
0x15a: {  	(erf) = vrcp.f32 v0;
	_ =	sdelay $0x8  }
0x15b: {  	v0 =	vpop (erf)  }
0x15c: {  	s19 =	simm.s32 $0x30;
	[tilespmem:$0xC820] =	vst v0  }
0x15d: {  	s18 =	simm.s32 $0x2C0;
	v0 =	vimm.f32 $0.0e+00;
	v1 =	vld [tilespmem:s19+$0x6400]  }
.LBB2_40:
0x15e: {  	p0 =	sne.s32 s18, $0x18EC0  }
.Ltmp19:
0x15f: {  	_ = 	snop;
	(pc) =	sbr.rel @p0 .LBB2_40-.Ltmp19, $3  }
0x160: {  	_ =	sdelay $0x1  }
0x161: {  	s19 =	sshra.s32 s18, $0x2;
	s18 =	sadd.s32 $0x200, s18;
	v0 =	vadd.f32 v1, v0  }
0x162: {  	v1 =	vld [tilespmem:s19+$0x6400]  }
0x163: {  	_ =	sdelay $0x3  }
0x164: {  	v0 =	vadd.f32 v1, v0;
	_ =	sdelay $0x1  }
0x165: {  	v0 =	vsub.f32 $0.0e+00, v0;
	_ =	sdelay $0x1  }
0x166: {  	v0 =	vmul.f32 $1.442695020e+00, v0;
	_ =	sdelay $0x1  }
0x167: {  	(erf) = vpow2.f32 v0;
	_ =	sdelay $0x8  }
0x168: {  	v0 =	vpop (erf)  }
0x169: {  	v0 =	vadd.f32 $1.000000000e+00, v0;
	_ =	sdelay $0x1  }
0x16a: {  	(erf) = vrcp.f32 v0;
	_ =	sdelay $0x8  }
0x16b: {  	v0 =	vpop (erf)  }
0x16c: {  	s19 =	simm.s32 $0x40;
	[tilespmem:$0xC830] =	vst v0  }
0x16d: {  	s18 =	simm.s32 $0x300;
	v0 =	vimm.f32 $0.0e+00;
	v1 =	vld [tilespmem:s19+$0x6400]  }
.LBB2_42:
0x16e: {  	p0 =	sne.s32 s18, $0x18F00  }
.Ltmp20:
0x16f: {  	_ = 	snop;
	(pc) =	sbr.rel @p0 .LBB2_42-.Ltmp20, $3  }
0x170: {  	_ =	sdelay $0x1  }
0x171: {  	s19 =	sshra.s32 s18, $0x2;
	s18 =	sadd.s32 $0x200, s18;
	v0 =	vadd.f32 v1, v0  }
0x172: {  	v1 =	vld [tilespmem:s19+$0x6400]  }
0x173: {  	_ =	sdelay $0x3  }
0x174: {  	v0 =	vadd.f32 v1, v0;
	_ =	sdelay $0x1  }
0x175: {  	v0 =	vsub.f32 $0.0e+00, v0;
	_ =	sdelay $0x1  }
0x176: {  	v0 =	vmul.f32 $1.442695020e+00, v0;
	_ =	sdelay $0x1  }
0x177: {  	(erf) = vpow2.f32 v0;
	_ =	sdelay $0x8  }
0x178: {  	v0 =	vpop (erf)  }
0x179: {  	v0 =	vadd.f32 $1.000000000e+00, v0;
	_ =	sdelay $0x1  }
0x17a: {  	(erf) = vrcp.f32 v0;
	_ =	sdelay $0x8  }
0x17b: {  	v0 =	vpop (erf)  }
0x17c: {  	s19 =	simm.s32 $0x50;
	[tilespmem:$0xC840] =	vst v0  }
0x17d: {  	s18 =	simm.s32 $0x340;
	v0 =	vimm.f32 $0.0e+00;
	v1 =	vld [tilespmem:s19+$0x6400]  }
.LBB2_44:
0x17e: {  	p0 =	sne.s32 s18, $0x18F40  }
.Ltmp21:
0x17f: {  	_ = 	snop;
	(pc) =	sbr.rel @p0 .LBB2_44-.Ltmp21, $3  }
0x180: {  	_ =	sdelay $0x1  }
0x181: {  	s19 =	sshra.s32 s18, $0x2;
	s18 =	sadd.s32 $0x200, s18;
	v0 =	vadd.f32 v1, v0  }
0x182: {  	v1 =	vld [tilespmem:s19+$0x6400]  }
0x183: {  	_ =	sdelay $0x3  }
0x184: {  	v0 =	vadd.f32 v1, v0;
	_ =	sdelay $0x1  }
0x185: {  	v0 =	vsub.f32 $0.0e+00, v0;
	_ =	sdelay $0x1  }
0x186: {  	v0 =	vmul.f32 $1.442695020e+00, v0;
	_ =	sdelay $0x1  }
0x187: {  	(erf) = vpow2.f32 v0;
	_ =	sdelay $0x8  }
0x188: {  	v0 =	vpop (erf)  }
0x189: {  	v0 =	vadd.f32 $1.000000000e+00, v0;
	_ =	sdelay $0x1  }
0x18a: {  	(erf) = vrcp.f32 v0;
	_ =	sdelay $0x8  }
0x18b: {  	v0 =	vpop (erf)  }
0x18c: {  	s19 =	simm.s32 $0x60;
	[tilespmem:$0xC850] =	vst v0  }
0x18d: {  	s18 =	simm.s32 $0x380;
	v0 =	vimm.f32 $0.0e+00;
	v1 =	vld [tilespmem:s19+$0x6400]  }
.LBB2_46:
0x18e: {  	p0 =	sne.s32 s18, $0x18F80  }
.Ltmp22:
0x18f: {  	_ = 	snop;
	(pc) =	sbr.rel @p0 .LBB2_46-.Ltmp22, $3  }
0x190: {  	_ =	sdelay $0x1  }
0x191: {  	s19 =	sshra.s32 s18, $0x2;
	s18 =	sadd.s32 $0x200, s18;
	v0 =	vadd.f32 v1, v0  }
0x192: {  	v1 =	vld [tilespmem:s19+$0x6400]  }
0x193: {  	_ =	sdelay $0x3  }
0x194: {  	v0 =	vadd.f32 v1, v0;
	_ =	sdelay $0x1  }
0x195: {  	v0 =	vsub.f32 $0.0e+00, v0;
	_ =	sdelay $0x1  }
0x196: {  	v0 =	vmul.f32 $1.442695020e+00, v0;
	_ =	sdelay $0x1  }
0x197: {  	(erf) = vpow2.f32 v0;
	_ =	sdelay $0x8  }
0x198: {  	v0 =	vpop (erf)  }
0x199: {  	v0 =	vadd.f32 $1.000000000e+00, v0;
	_ =	sdelay $0x1  }
0x19a: {  	(erf) = vrcp.f32 v0;
	_ =	sdelay $0x8  }
0x19b: {  	v0 =	vpop (erf)  }
0x19c: {  	s19 =	simm.s32 $0x70;
	[tilespmem:$0xC860] =	vst v0  }
0x19d: {  	s18 =	simm.s32 $0x3C0;
	v0 =	vimm.f32 $0.0e+00;
	v1 =	vld [tilespmem:s19+$0x6400]  }
.LBB2_48:
0x19e: {  	p0 =	sne.s32 s18, $0x18FC0  }
.Ltmp23:
0x19f: {  	_ = 	snop;
	(pc) =	sbr.rel @p0 .LBB2_48-.Ltmp23, $3  }
0x1a0: {  	_ =	sdelay $0x1  }
0x1a1: {  	s19 =	sshra.s32 s18, $0x2;
	s18 =	sadd.s32 $0x200, s18;
	v0 =	vadd.f32 v1, v0  }
0x1a2: {  	v1 =	vld [tilespmem:s19+$0x6400]  }
0x1a3: {  	_ =	sdelay $0x3  }
0x1a4: {  	v0 =	vadd.f32 v1, v0;
	_ =	sdelay $0x1  }
0x1a5: {  	v0 =	vsub.f32 $0.0e+00, v0;
	_ =	sdelay $0x1  }
0x1a6: {  	v0 =	vmul.f32 $1.442695020e+00, v0;
	_ =	sdelay $0x1  }
0x1a7: {  	(erf) = vpow2.f32 v0;
	_ =	sdelay $0x8  }
0x1a8: {  	v0 =	vpop (erf)  }
0x1a9: {  	v0 =	vadd.f32 $1.000000000e+00, v0;
	_ =	sdelay $0x1  }
0x1aa: {  	(erf) = vrcp.f32 v0;
	_ =	sdelay $0x8  }
0x1ab: {  	v0 =	vpop (erf)  }
0x1ac: {  	s18 =	simm.s32 $0x0;
	[tilespmem:$0xC870] =	vst v0  }
0x1ad: {  	[hbm4b:s9+s18] =	stream.linear.scatter [tilespmem:s16], [sflag:$0x2], $0x80, $0x38;
	[tilespmem:$0xC880] =	vst v63  }
0x1ae: {  	_ =	swait.ge [sflag:s13], $0x80  }
0x1af: {  	[sflag:s13] =	ssyncset.done $0x0  }
0x1b0: {  	[sflag:s13] =	ssyncadd.s32 $0xFFFFFF80  }
0x1b1: {  	[tilespmem:s18], [sflag:$0x2] =	stream.linear.gather [hbm4b:s10+s18], $0x6400, $0x38;
	[tilespmem:$0xC880] =	vst v63  }
0x1b2: {  	_ =	swait.ge [sflag:s13], $0x6400  }
0x1b3: {  	[sflag:s13] =	ssyncset.done $0x0  }
0x1b4: {  	[sflag:s13] =	ssyncadd.s32 $0xFFFF9C00  }
0x1b5: {  	[tilespmem:s14], [sflag:$0x1] =	stream.indirect.gather [hbm4b:s3+s14], $0x1, s18, s14, $0xb8;
	[tilespmem:$0xC880] =	vst v63  }
0x1b6: {  	_ =	swait.ge [sflag:s15], $0x6400  }
0x1b7: {  	[sflag:s15] =	ssyncset.done $0x0  }
0x1b8: {  	s19 =	simm.s32 $0x0;
	[sflag:s15] =	ssyncadd.s32 $0xFFFF9C00  }
0x1b9: {  	v0 =	vimm.f32 $0.0e+00;
	s18 =	simm.s32 $0x200;
	v1 =	vld [tilespmem:s19+$0x6400]  }
.LBB2_50:
0x1ba: {  	p0 =	sne.s32 s18, $0x18E00  }
.Ltmp24:
0x1bb: {  	_ = 	snop;
	(pc) =	sbr.rel @p0 .LBB2_50-.Ltmp24, $3  }
0x1bc: {  	_ =	sdelay $0x1  }
0x1bd: {  	s19 =	sshra.s32 s18, $0x2;
	s18 =	sadd.s32 $0x200, s18;
	v0 =	vadd.f32 v1, v0  }
0x1be: {  	v1 =	vld [tilespmem:s19+$0x6400]  }
0x1bf: {  	_ =	sdelay $0x3  }
0x1c0: {  	v0 =	vadd.f32 v1, v0;
	_ =	sdelay $0x1  }
0x1c1: {  	v0 =	vsub.f32 $0.0e+00, v0;
	_ =	sdelay $0x1  }
0x1c2: {  	v0 =	vmul.f32 $1.442695020e+00, v0;
	_ =	sdelay $0x1  }
0x1c3: {  	(erf) = vpow2.f32 v0;
	_ =	sdelay $0x8  }
0x1c4: {  	v0 =	vpop (erf)  }
0x1c5: {  	v0 =	vadd.f32 $1.000000000e+00, v0;
	_ =	sdelay $0x1  }
0x1c6: {  	(erf) = vrcp.f32 v0;
	_ =	sdelay $0x8  }
0x1c7: {  	v0 =	vpop (erf)  }
0x1c8: {  	s19 =	simm.s32 $0x10;
	[tilespmem:$0xC800] =	vst v0  }
0x1c9: {  	s18 =	simm.s32 $0x240;
	v0 =	vimm.f32 $0.0e+00;
	v1 =	vld [tilespmem:s19+$0x6400]  }
.LBB2_52:
0x1ca: {  	p0 =	sne.s32 s18, $0x18E40  }
.Ltmp25:
0x1cb: {  	_ = 	snop;
	(pc) =	sbr.rel @p0 .LBB2_52-.Ltmp25, $3  }
0x1cc: {  	_ =	sdelay $0x1  }
0x1cd: {  	s19 =	sshra.s32 s18, $0x2;
	s18 =	sadd.s32 $0x200, s18;
	v0 =	vadd.f32 v1, v0  }
0x1ce: {  	v1 =	vld [tilespmem:s19+$0x6400]  }
0x1cf: {  	_ =	sdelay $0x3  }
0x1d0: {  	v0 =	vadd.f32 v1, v0;
	_ =	sdelay $0x1  }
0x1d1: {  	v0 =	vsub.f32 $0.0e+00, v0;
	_ =	sdelay $0x1  }
0x1d2: {  	v0 =	vmul.f32 $1.442695020e+00, v0;
	_ =	sdelay $0x1  }
0x1d3: {  	(erf) = vpow2.f32 v0;
	_ =	sdelay $0x8  }
0x1d4: {  	v0 =	vpop (erf)  }
0x1d5: {  	v0 =	vadd.f32 $1.000000000e+00, v0;
	_ =	sdelay $0x1  }
0x1d6: {  	(erf) = vrcp.f32 v0;
	_ =	sdelay $0x8  }
0x1d7: {  	v0 =	vpop (erf)  }
0x1d8: {  	s19 =	simm.s32 $0x20;
	[tilespmem:$0xC810] =	vst v0  }
0x1d9: {  	s18 =	simm.s32 $0x280;
	v0 =	vimm.f32 $0.0e+00;
	v1 =	vld [tilespmem:s19+$0x6400]  }
.LBB2_54:
0x1da: {  	p0 =	sne.s32 s18, $0x18E80  }
.Ltmp26:
0x1db: {  	_ = 	snop;
	(pc) =	sbr.rel @p0 .LBB2_54-.Ltmp26, $3  }
0x1dc: {  	_ =	sdelay $0x1  }
0x1dd: {  	s19 =	sshra.s32 s18, $0x2;
	s18 =	sadd.s32 $0x200, s18;
	v0 =	vadd.f32 v1, v0  }
0x1de: {  	v1 =	vld [tilespmem:s19+$0x6400]  }
0x1df: {  	_ =	sdelay $0x3  }
0x1e0: {  	v0 =	vadd.f32 v1, v0;
	_ =	sdelay $0x1  }
0x1e1: {  	v0 =	vsub.f32 $0.0e+00, v0;
	_ =	sdelay $0x1  }
0x1e2: {  	v0 =	vmul.f32 $1.442695020e+00, v0;
	_ =	sdelay $0x1  }
0x1e3: {  	(erf) = vpow2.f32 v0;
	_ =	sdelay $0x8  }
0x1e4: {  	v0 =	vpop (erf)  }
0x1e5: {  	v0 =	vadd.f32 $1.000000000e+00, v0;
	_ =	sdelay $0x1  }
0x1e6: {  	(erf) = vrcp.f32 v0;
	_ =	sdelay $0x8  }
0x1e7: {  	v0 =	vpop (erf)  }
0x1e8: {  	s19 =	simm.s32 $0x30;
	[tilespmem:$0xC820] =	vst v0  }
0x1e9: {  	s18 =	simm.s32 $0x2C0;
	v0 =	vimm.f32 $0.0e+00;
	v1 =	vld [tilespmem:s19+$0x6400]  }
.LBB2_56:
0x1ea: {  	p0 =	sne.s32 s18, $0x18EC0  }
.Ltmp27:
0x1eb: {  	_ = 	snop;
	(pc) =	sbr.rel @p0 .LBB2_56-.Ltmp27, $3  }
0x1ec: {  	_ =	sdelay $0x1  }
0x1ed: {  	s19 =	sshra.s32 s18, $0x2;
	s18 =	sadd.s32 $0x200, s18;
	v0 =	vadd.f32 v1, v0  }
0x1ee: {  	v1 =	vld [tilespmem:s19+$0x6400]  }
0x1ef: {  	_ =	sdelay $0x3  }
0x1f0: {  	v0 =	vadd.f32 v1, v0;
	_ =	sdelay $0x1  }
0x1f1: {  	v0 =	vsub.f32 $0.0e+00, v0;
	_ =	sdelay $0x1  }
0x1f2: {  	v0 =	vmul.f32 $1.442695020e+00, v0;
	_ =	sdelay $0x1  }
0x1f3: {  	(erf) = vpow2.f32 v0;
	_ =	sdelay $0x8  }
0x1f4: {  	v0 =	vpop (erf)  }
0x1f5: {  	v0 =	vadd.f32 $1.000000000e+00, v0;
	_ =	sdelay $0x1  }
0x1f6: {  	(erf) = vrcp.f32 v0;
	_ =	sdelay $0x8  }
0x1f7: {  	v0 =	vpop (erf)  }
0x1f8: {  	s19 =	simm.s32 $0x40;
	[tilespmem:$0xC830] =	vst v0  }
0x1f9: {  	s18 =	simm.s32 $0x300;
	v0 =	vimm.f32 $0.0e+00;
	v1 =	vld [tilespmem:s19+$0x6400]  }
.LBB2_58:
0x1fa: {  	p0 =	sne.s32 s18, $0x18F00  }
.Ltmp28:
0x1fb: {  	_ = 	snop;
	(pc) =	sbr.rel @p0 .LBB2_58-.Ltmp28, $3  }
0x1fc: {  	_ =	sdelay $0x1  }
0x1fd: {  	s19 =	sshra.s32 s18, $0x2;
	s18 =	sadd.s32 $0x200, s18;
	v0 =	vadd.f32 v1, v0  }
0x1fe: {  	v1 =	vld [tilespmem:s19+$0x6400]  }
0x1ff: {  	_ =	sdelay $0x3  }
0x200: {  	v0 =	vadd.f32 v1, v0;
	_ =	sdelay $0x1  }
0x201: {  	v0 =	vsub.f32 $0.0e+00, v0;
	_ =	sdelay $0x1  }
0x202: {  	v0 =	vmul.f32 $1.442695020e+00, v0;
	_ =	sdelay $0x1  }
0x203: {  	(erf) = vpow2.f32 v0;
	_ =	sdelay $0x8  }
0x204: {  	v0 =	vpop (erf)  }
0x205: {  	v0 =	vadd.f32 $1.000000000e+00, v0;
	_ =	sdelay $0x1  }
0x206: {  	(erf) = vrcp.f32 v0;
	_ =	sdelay $0x8  }
0x207: {  	v0 =	vpop (erf)  }
0x208: {  	s19 =	simm.s32 $0x50;
	[tilespmem:$0xC840] =	vst v0  }
0x209: {  	s18 =	simm.s32 $0x340;
	v0 =	vimm.f32 $0.0e+00;
	v1 =	vld [tilespmem:s19+$0x6400]  }
.LBB2_60:
0x20a: {  	p0 =	sne.s32 s18, $0x18F40  }
.Ltmp29:
0x20b: {  	_ = 	snop;
	(pc) =	sbr.rel @p0 .LBB2_60-.Ltmp29, $3  }
0x20c: {  	_ =	sdelay $0x1  }
0x20d: {  	s19 =	sshra.s32 s18, $0x2;
	s18 =	sadd.s32 $0x200, s18;
	v0 =	vadd.f32 v1, v0  }
0x20e: {  	v1 =	vld [tilespmem:s19+$0x6400]  }
0x20f: {  	_ =	sdelay $0x3  }
0x210: {  	v0 =	vadd.f32 v1, v0;
	_ =	sdelay $0x1  }
0x211: {  	v0 =	vsub.f32 $0.0e+00, v0;
	_ =	sdelay $0x1  }
0x212: {  	v0 =	vmul.f32 $1.442695020e+00, v0;
	_ =	sdelay $0x1  }
0x213: {  	(erf) = vpow2.f32 v0;
	_ =	sdelay $0x8  }
0x214: {  	v0 =	vpop (erf)  }
0x215: {  	v0 =	vadd.f32 $1.000000000e+00, v0;
	_ =	sdelay $0x1  }
0x216: {  	(erf) = vrcp.f32 v0;
	_ =	sdelay $0x8  }
0x217: {  	v0 =	vpop (erf)  }
0x218: {  	s19 =	simm.s32 $0x60;
	[tilespmem:$0xC850] =	vst v0  }
0x219: {  	s18 =	simm.s32 $0x380;
	v0 =	vimm.f32 $0.0e+00;
	v1 =	vld [tilespmem:s19+$0x6400]  }
.LBB2_62:
0x21a: {  	p0 =	sne.s32 s18, $0x18F80  }
.Ltmp30:
0x21b: {  	_ = 	snop;
	(pc) =	sbr.rel @p0 .LBB2_62-.Ltmp30, $3  }
0x21c: {  	_ =	sdelay $0x1  }
0x21d: {  	s19 =	sshra.s32 s18, $0x2;
	s18 =	sadd.s32 $0x200, s18;
	v0 =	vadd.f32 v1, v0  }
0x21e: {  	v1 =	vld [tilespmem:s19+$0x6400]  }
0x21f: {  	_ =	sdelay $0x3  }
0x220: {  	v0 =	vadd.f32 v1, v0;
	_ =	sdelay $0x1  }
0x221: {  	v0 =	vsub.f32 $0.0e+00, v0;
	_ =	sdelay $0x1  }
0x222: {  	v0 =	vmul.f32 $1.442695020e+00, v0;
	_ =	sdelay $0x1  }
0x223: {  	(erf) = vpow2.f32 v0;
	_ =	sdelay $0x8  }
0x224: {  	v0 =	vpop (erf)  }
0x225: {  	v0 =	vadd.f32 $1.000000000e+00, v0;
	_ =	sdelay $0x1  }
0x226: {  	(erf) = vrcp.f32 v0;
	_ =	sdelay $0x8  }
0x227: {  	v0 =	vpop (erf)  }
0x228: {  	s19 =	simm.s32 $0x70;
	[tilespmem:$0xC860] =	vst v0  }
0x229: {  	s18 =	simm.s32 $0x3C0;
	v0 =	vimm.f32 $0.0e+00;
	v1 =	vld [tilespmem:s19+$0x6400]  }
.LBB2_64:
0x22a: {  	p0 =	sne.s32 s18, $0x18FC0  }
.Ltmp31:
0x22b: {  	_ = 	snop;
	(pc) =	sbr.rel @p0 .LBB2_64-.Ltmp31, $3  }
0x22c: {  	_ =	sdelay $0x1  }
0x22d: {  	s19 =	sshra.s32 s18, $0x2;
	s18 =	sadd.s32 $0x200, s18;
	v0 =	vadd.f32 v1, v0  }
0x22e: {  	v1 =	vld [tilespmem:s19+$0x6400]  }
0x22f: {  	_ =	sdelay $0x3  }
0x230: {  	v0 =	vadd.f32 v1, v0;
	_ =	sdelay $0x1  }
0x231: {  	v0 =	vsub.f32 $0.0e+00, v0;
	_ =	sdelay $0x1  }
0x232: {  	v0 =	vmul.f32 $1.442695020e+00, v0;
	_ =	sdelay $0x1  }
0x233: {  	(erf) = vpow2.f32 v0;
	_ =	sdelay $0x8  }
0x234: {  	v0 =	vpop (erf)  }
0x235: {  	v0 =	vadd.f32 $1.000000000e+00, v0;
	_ =	sdelay $0x1  }
0x236: {  	(erf) = vrcp.f32 v0;
	_ =	sdelay $0x7  }
0x237: {  	s17 =	sadd.s32 $0x1, s17  }
0x238: {  	p0 =	sne.s32 s17, s12;
	v0 =	vpop (erf)  }
.Ltmp32:
0x239: {  	[tilespmem:$0xC870] =	vst v0;
	(pc) =	sbr.rel @p0 .LBB2_1-.Ltmp32, $4  }
0x23a: {  	[hbm4b:s11+s2] =	stream.linear.scatter [tilespmem:s16], [sflag:$0x2], $0x80, $0x38;
	[tilespmem:$0xC880] =	vst v63  }
0x23b: {  	_ =	swait.ge [sflag:s13], $0x80  }
0x23c: {  	[sflag:s13] =	ssyncset.done $0x0  }
0x23d: {  	[sflag:s13] =	ssyncadd.s32 $0xFFFFFF80  }
0x23e: {  	_ =	sfence.sel $0x180000  }
0x23f: {  	[bflag:$0x0] =	sbarrier.arrive $0xFFFF  }
0x240: {  	p0 =	sne.s32 s0, $0x0;
	_ =	strace $0x90000047  }
0x241: {  	s0 =	sadd.s32 @!p0 $0x100000, s1;
	[bflag:$0x2] =	sbarrier.arrive $0xFFFF  }
0x242: {  	[sflag:s0] =	ssyncadd.tile.s32 @!p0 $0x1;
	_ =	shalt  }
.Lfunc_end2:
_tile_overlayer_lowered:
.L_overlay_start_2:
0x243: {  	(tag) =	ssettag $0x2  }
0x244: {  	s0 =	rddreg [dreg:$0x0];
	s2 =	stileid.u32  }
0x245: {  	s1 =	rddreg [dreg:$0x1];
	p0 =	sne.s32 s2, $0x0  }
0x246: {  	s3 =	rddreg [dreg:$0x2];
	[bflag:$0x3] =	sbarrier.arrive $0xFFFF;
	s2 =	simm.s32 @!p0 $0x1C02  }
0x247: {  	[timem:s3], [sflag:s2] =	dma.local @!p0 [hbm:s0], s1  }
0x248: {  	s0 =	simm.s32 @!p0 $0x2  }
0x249: {  	_ =	swait.ge @!p0 [sflag:s0], s1  }
0x24a: {  	s1 =	ssub.s32 @!p0 $0x0, s1;
	[sflag:s0] =	ssyncset.done @!p0 $0x0  }
0x24b: {  	[sflag:s0] =	ssyncadd.s32 @!p0 s1  }
0x24c: {  	[bflag:$0x3] =	sbarrier.arrive $0xFFFF  }
0x24d: {  	_ =	shalt  }

</sc_bundles>
